<compile_context>
chip_gen: v7x
topology: tpu7x:2x2x1
jax: 0.10.2.dev20260603
libtpu: 0.0.44.dev20260713+nightly
codegen_flags: <defaults>
</compile_context>

<pallas_src>
import functools

import jax
import jax.numpy as jnp
from jax import lax
from jax.experimental import pallas as pl
from jax.experimental.pallas import tpu as pltpu
from jax.experimental.pallas import tpu_sc as plsc

BATCH_SIZE = 16384
DIM = 64
NUM_CORES = 2
NUM_SUBCORES = 16
NUM_WORKERS = NUM_CORES * NUM_SUBCORES
BPW = BATCH_SIZE // NUM_WORKERS
CHUNK = 128
N_CHUNKS = BPW // CHUNK
LANES = 16
N_GROUPS = CHUNK // LANES


def _dots_body(jt, uemb, iemb, out_up, out_un,
               jt_v, ru, rp, rn, acc_up, acc_un, sem):
    wid = lax.axis_index("s") * NUM_CORES + lax.axis_index("c")
    base = wid * BPW
    pltpu.sync_copy(jt.at[wid], jt_v)

    def chunk_step(c, carry):
        h1 = pltpu.async_copy(uemb.at[jt_v.at[0, c]], ru, sem)
        h2 = pltpu.async_copy(iemb.at[jt_v.at[1, c]], rp, sem)
        h3 = pltpu.async_copy(iemb.at[jt_v.at[2, c]], rn, sem)
        h1.wait()
        h2.wait()
        h3.wait()

        def group_step(g, carry2):
            rows = lax.iota(jnp.int32, LANES) + g * LANES
            aup = jnp.zeros((LANES,), jnp.float32)
            aun = jnp.zeros((LANES,), jnp.float32)
            for d in range(DIM):
                dvec = jnp.full((LANES,), d, jnp.int32)
                du = plsc.load_gather(ru, [rows, dvec])
                dp = plsc.load_gather(rp, [rows, dvec])
                dn = plsc.load_gather(rn, [rows, dvec])
                aup = aup + du * dp
                aun = aun + du * dn
            off = c * CHUNK + g * LANES
            acc_up[pl.ds(off, LANES)] = aup
            acc_un[pl.ds(off, LANES)] = aun
            return carry2

        lax.fori_loop(0, N_GROUPS, group_step, 0)
        return carry

    lax.fori_loop(0, N_CHUNKS, chunk_step, 0)
    pltpu.sync_copy(acc_up, out_up.at[pl.ds(base, BPW)])
    pltpu.sync_copy(acc_un, out_un.at[pl.ds(base, BPW)])


_DOTS = jax.ShapeDtypeStruct((BATCH_SIZE,), jnp.float32)


@functools.cache
def _sc_dots():
    return functools.partial(
        pl.kernel,
        mesh=plsc.VectorSubcoreMesh(core_axis_name="c", subcore_axis_name="s"),
        out_type=(_DOTS, _DOTS),
        scratch_types=[
            pltpu.VMEM((3, N_CHUNKS, CHUNK), jnp.int32),
            pltpu.VMEM((CHUNK, DIM), jnp.float32),
            pltpu.VMEM((CHUNK, DIM), jnp.float32),
            pltpu.VMEM((CHUNK, DIM), jnp.float32),
            pltpu.VMEM((BPW,), jnp.float32),
            pltpu.VMEM((BPW,), jnp.float32),
            pltpu.SemaphoreType.DMA,
        ],
        compiler_params=pltpu.CompilerParams(
            needs_layout_passes=False, use_tc_tiling_on_sc=False),
    )(_dots_body)


def _loss_body(up_ref, un_ref, o_ref):
    d = jax.nn.sigmoid(up_ref[...]) - jax.nn.sigmoid(un_ref[...])
    o_ref[0, 0] = jnp.sum(-jax.nn.log_sigmoid(d)) * (1.0 / BATCH_SIZE)


_tc_loss = pl.pallas_call(
    _loss_body,
    out_specs=pl.BlockSpec(memory_space=pltpu.SMEM),
    out_shape=jax.ShapeDtypeStruct((1, 1), jnp.float32),
)


def kernel(user_indices, pos_item_indices, neg_item_indices,
           user_embedding, item_embedding):
    idx = jnp.stack([user_indices, pos_item_indices, neg_item_indices])
    idx = idx.astype(jnp.int32)
    jt = idx.reshape(3, NUM_WORKERS, N_CHUNKS, CHUNK).transpose(1, 0, 2, 3)
    up, un = _sc_dots()(jt, user_embedding, item_embedding)
    out = _tc_loss(up.reshape(128, 128), un.reshape(128, 128))
    return out[0, 0]

# --- scband reference (transcript-rebuilt; emitter-appended) ---
"""Pipeline reference for scband-bprmf-62697932587024 (READ-ONLY COPY).

The authoritative reference and input builder live on the scoring server;
editing this copy changes nothing except your own understanding.
"""

import jax, jax.numpy as jnp
import numpy as np

NUM_USERS = 1000000
NUM_ITEMS = 1000000
LATENT_DIM = 64
BATCH = 16384


def setup_inputs(seed: int = 0) -> dict:
    key = jax.random.key(seed)
    k1, k2, k3, k4, k5 = jax.random.split(key, 5)
    user_indices = jax.random.randint(k1, (BATCH,), 0, NUM_USERS, dtype=jnp.int64 if jax.config.jax_enable_x64 else jnp.int32)
    pos_item_indices = jax.random.randint(k2, (BATCH,), 0, NUM_ITEMS, dtype=jnp.int64 if jax.config.jax_enable_x64 else jnp.int32)
    neg_item_indices = jax.random.randint(k3, (BATCH,), 0, NUM_ITEMS, dtype=jnp.int64 if jax.config.jax_enable_x64 else jnp.int32)
    user_embedding = jax.random.normal(k4, (NUM_USERS, LATENT_DIM), dtype=jnp.float32) * 0.01
    item_embedding = jax.random.normal(k5, (NUM_ITEMS, LATENT_DIM), dtype=jnp.float32) * 0.01
    return {
        "user_indices": user_indices,
        "pos_item_indices": pos_item_indices,
        "neg_item_indices": neg_item_indices,
        "user_embedding": user_embedding,
        "item_embedding": item_embedding,
    }


def reference(user_indices, pos_item_indices, neg_item_indices, user_embedding, item_embedding):
    user_vec = jnp.take(user_embedding, user_indices, axis=0)
    pos_item_vec = jnp.take(item_embedding, pos_item_indices, axis=0)
    neg_item_vec = jnp.take(item_embedding, neg_item_indices, axis=0)
    pos_scores = jax.nn.sigmoid(jnp.sum(user_vec * pos_item_vec, axis=1))
    neg_scores = jax.nn.sigmoid(jnp.sum(user_vec * neg_item_vec, axis=1))
    cf_loss = jnp.mean(-1.0 * jax.nn.log_sigmoid(pos_scores - neg_scores))
    return cf_loss

if __name__ == "__main__":
    import jax
    _d = setup_inputs()
    print(jax.jit(kernel)(*tuple(_d.values())))

</pallas_src>

<mosaic_0001>
#map = affine_map<(d0, d1) -> (0, 0, 0, 0)>
#map1 = affine_map<(d0, d1) -> (0, 0)>
#map2 = affine_map<(d0, d1) -> (0)>
module attributes {stable_mosaic.version = 14 : i64} {
  func.func @_dots_body(%arg0: i32, %arg1: i32, %arg2: memref<32x3x4x128xi32, #tpu.memory_space<hbm>>, %arg3: memref<1000000x64xf32, #tpu.memory_space<hbm>>, %arg4: memref<1000000x64xf32, #tpu.memory_space<hbm>>, %arg5: memref<16384xf32, #tpu.memory_space<hbm>>, %arg6: memref<16384xf32, #tpu.memory_space<hbm>>, %arg7: memref<3x4x128xi32, #tpu.memory_space<vmem>>, %arg8: memref<128x64xf32, #tpu.memory_space<vmem>>, %arg9: memref<128x64xf32, #tpu.memory_space<vmem>>, %arg10: memref<128x64xf32, #tpu.memory_space<vmem>>, %arg11: memref<512xf32, #tpu.memory_space<vmem>>, %arg12: memref<512xf32, #tpu.memory_space<vmem>>, %arg13: memref<!tpu.dma_semaphore, #tpu.memory_space<semaphore_mem>>) attributes {dimension_semantics = [#tpu.dimension_semantics<core_parallel>, #tpu.dimension_semantics<subcore_parallel>], iteration_bounds = array<i64: 2, 16>, scalar_prefetch = 0 : i64, scratch_operands = 7 : i64, tpu.core_type = #tpu.core_type<sc_vector_subcore>, window_params = [{transform_indices = #map}, {transform_indices = #map1}, {transform_indices = #map1}, {transform_indices = #map2}, {transform_indices = #map2}]} {
    %mul3A = arith.constant 2 : i32
    %mul3A_0 = arith.muli %arg1, %mul3A : i32
    %add3A = arith.addi %mul3A_0, %arg0 : i32
    %mul3A_1 = arith.constant 512 : i32
    %mul3A_2 = arith.muli %add3A, %mul3A_1 : i32
    "tpu.region"() ({
      %run_scoped3A = tpu.sem_alloc : memref<!tpu.dma_semaphore, #tpu.memory_space<semaphore_mem>>
      %dma_start3A = arith.constant 0 : i32
      %dma_start3A_8 = arith.constant 0 : i32
      %dma_start3A_9 = arith.constant 0 : i32
      %dma_start3A_10 = tpu.memref_slice %arg2[%add3A, %dma_start3A, %dma_start3A_8, %dma_start3A_9] : memref<32x3x4x128xi32, #tpu.memory_space<hbm>> -> memref<1x3x4x128xi32, #tpu.memory_space<hbm>>
      %dma_start3A_11 = tpu.memref_squeeze %dma_start3A_10 : memref<1x3x4x128xi32, #tpu.memory_space<hbm>> -> memref<3x4x128xi32, #tpu.memory_space<hbm>>
      %dma_start3A_12 = arith.constant 0 : i32
      %dma_start3A_13 = arith.constant 0 : i32
      %dma_start3A_14 = arith.constant 0 : i32
      %dma_start3A_15 = tpu.memref_slice %arg2[%add3A, %dma_start3A_12, %dma_start3A_13, %dma_start3A_14] : memref<32x3x4x128xi32, #tpu.memory_space<hbm>> -> memref<1x3x4x128xi32, #tpu.memory_space<hbm>>
      %dma_start3A_16 = tpu.memref_squeeze %dma_start3A_15 : memref<1x3x4x128xi32, #tpu.memory_space<hbm>> -> memref<3x4x128xi32, #tpu.memory_space<hbm>>
      tpu.enqueue_dma source(%dma_start3A_16 : memref<3x4x128xi32, #tpu.memory_space<hbm>>) target(%arg7 : memref<3x4x128xi32, #tpu.memory_space<vmem>>) target_semaphore(%run_scoped3A : memref<!tpu.dma_semaphore, #tpu.memory_space<semaphore_mem>>)
      %dma_wait3A = arith.constant 0 : i32
      %dma_wait3A_17 = arith.constant 0 : i32
      %dma_wait3A_18 = arith.constant 0 : i32
      %dma_wait3A_19 = tpu.memref_slice %arg2[%add3A, %dma_wait3A, %dma_wait3A_17, %dma_wait3A_18] : memref<32x3x4x128xi32, #tpu.memory_space<hbm>> -> memref<1x3x4x128xi32, #tpu.memory_space<hbm>>
      %dma_wait3A_20 = tpu.memref_squeeze %dma_wait3A_19 : memref<1x3x4x128xi32, #tpu.memory_space<hbm>> -> memref<3x4x128xi32, #tpu.memory_space<hbm>>
      %dma_wait3A_21 = arith.constant 0 : i32
      %dma_wait3A_22 = arith.constant 0 : i32
      %dma_wait3A_23 = arith.constant 0 : i32
      %dma_wait3A_24 = tpu.memref_slice %arg2[%add3A, %dma_wait3A_21, %dma_wait3A_22, %dma_wait3A_23] : memref<32x3x4x128xi32, #tpu.memory_space<hbm>> -> memref<1x3x4x128xi32, #tpu.memory_space<hbm>>
      %dma_wait3A_25 = tpu.memref_squeeze %dma_wait3A_24 : memref<1x3x4x128xi32, #tpu.memory_space<hbm>> -> memref<3x4x128xi32, #tpu.memory_space<hbm>>
      tpu.wait_dma2 semaphore(%run_scoped3A : memref<!tpu.dma_semaphore, #tpu.memory_space<semaphore_mem>>) src(%dma_wait3A_25 : memref<3x4x128xi32, #tpu.memory_space<hbm>>) dst(%arg7 : memref<3x4x128xi32, #tpu.memory_space<vmem>>)
      tpu.yield
    }) : () -> ()
    %scan3A = arith.constant 0 : i32
    %scan3A_3 = arith.constant 0 : i32
    %scan3A_4 = arith.constant 4 : i32
    %scan3A_5 = arith.addi %scan3A_3, %scan3A_4 : i32
    %scan3A_6 = arith.constant 1 : i32
    scf.for %scan3A_8 = %scan3A_3 to %scan3A_5 step %scan3A_6  : i32 {
      %dma_start3A = arith.constant 0 : i32
      %dma_start3A_9 = arith.constant 0 : i32
      %dma_start3A_10 = tpu.memref_slice %arg7[%dma_start3A, %scan3A_8, %dma_start3A_9] : memref<3x4x128xi32, #tpu.memory_space<vmem>> -> memref<1x1x128xi32, #tpu.memory_space<vmem>>
      %dma_start3A_11 = tpu.memref_squeeze %dma_start3A_10 : memref<1x1x128xi32, #tpu.memory_space<vmem>> -> memref<128xi32, #tpu.memory_space<vmem>>
      %dma_start3A_12 = arith.constant 0 : i32
      %dma_start3A_13 = arith.constant 0 : i32
      %dma_start3A_14 = tpu.memref_slice %arg3[%dma_start3A_12, %dma_start3A_13] : memref<1000000x64xf32, #tpu.memory_space<hbm>> -> memref<1000000x64xf32, #tpu.memory_space<hbm>>
      tpu.enqueue_indirect_dma source(%dma_start3A_14 : memref<1000000x64xf32, #tpu.memory_space<hbm>>) target(%arg8 : memref<128x64xf32, #tpu.memory_space<vmem>>) offsets(%dma_start3A_11 : memref<128xi32, #tpu.memory_space<vmem>>) semaphore(%arg13 : memref<!tpu.dma_semaphore, #tpu.memory_space<semaphore_mem>>)
      %dma_start3A_15 = arith.constant 1 : i32
      %dma_start3A_16 = arith.constant 0 : i32
      %dma_start3A_17 = tpu.memref_slice %arg7[%dma_start3A_15, %scan3A_8, %dma_start3A_16] : memref<3x4x128xi32, #tpu.memory_space<vmem>> -> memref<1x1x128xi32, #tpu.memory_space<vmem>>
      %dma_start3A_18 = tpu.memref_squeeze %dma_start3A_17 : memref<1x1x128xi32, #tpu.memory_space<vmem>> -> memref<128xi32, #tpu.memory_space<vmem>>
      %dma_start3A_19 = arith.constant 0 : i32
      %dma_start3A_20 = arith.constant 0 : i32
      %dma_start3A_21 = tpu.memref_slice %arg4[%dma_start3A_19, %dma_start3A_20] : memref<1000000x64xf32, #tpu.memory_space<hbm>> -> memref<1000000x64xf32, #tpu.memory_space<hbm>>
      tpu.enqueue_indirect_dma source(%dma_start3A_21 : memref<1000000x64xf32, #tpu.memory_space<hbm>>) target(%arg9 : memref<128x64xf32, #tpu.memory_space<vmem>>) offsets(%dma_start3A_18 : memref<128xi32, #tpu.memory_space<vmem>>) semaphore(%arg13 : memref<!tpu.dma_semaphore, #tpu.memory_space<semaphore_mem>>)
      %dma_start3A_22 = arith.constant 2 : i32
      %dma_start3A_23 = arith.constant 0 : i32
      %dma_start3A_24 = tpu.memref_slice %arg7[%dma_start3A_22, %scan3A_8, %dma_start3A_23] : memref<3x4x128xi32, #tpu.memory_space<vmem>> -> memref<1x1x128xi32, #tpu.memory_space<vmem>>
      %dma_start3A_25 = tpu.memref_squeeze %dma_start3A_24 : memref<1x1x128xi32, #tpu.memory_space<vmem>> -> memref<128xi32, #tpu.memory_space<vmem>>
      %dma_start3A_26 = arith.constant 0 : i32
      %dma_start3A_27 = arith.constant 0 : i32
      %dma_start3A_28 = tpu.memref_slice %arg4[%dma_start3A_26, %dma_start3A_27] : memref<1000000x64xf32, #tpu.memory_space<hbm>> -> memref<1000000x64xf32, #tpu.memory_space<hbm>>
      tpu.enqueue_indirect_dma source(%dma_start3A_28 : memref<1000000x64xf32, #tpu.memory_space<hbm>>) target(%arg10 : memref<128x64xf32, #tpu.memory_space<vmem>>) offsets(%dma_start3A_25 : memref<128xi32, #tpu.memory_space<vmem>>) semaphore(%arg13 : memref<!tpu.dma_semaphore, #tpu.memory_space<semaphore_mem>>)
      %dma_wait3A = arith.constant 0 : i32
      %dma_wait3A_29 = arith.constant 0 : i32
      %dma_wait3A_30 = tpu.memref_slice %arg7[%dma_wait3A, %scan3A_8, %dma_wait3A_29] : memref<3x4x128xi32, #tpu.memory_space<vmem>> -> memref<1x1x128xi32, #tpu.memory_space<vmem>>
      %dma_wait3A_31 = tpu.memref_squeeze %dma_wait3A_30 : memref<1x1x128xi32, #tpu.memory_space<vmem>> -> memref<128xi32, #tpu.memory_space<vmem>>
      %dma_wait3A_32 = arith.constant 0 : i32
      %dma_wait3A_33 = arith.constant 0 : i32
      %dma_wait3A_34 = tpu.memref_slice %arg3[%dma_wait3A_32, %dma_wait3A_33] : memref<1000000x64xf32, #tpu.memory_space<hbm>> -> memref<1000000x64xf32, #tpu.memory_space<hbm>>
      tpu.wait_indirect_dma semaphore(%arg13 : memref<!tpu.dma_semaphore, #tpu.memory_space<semaphore_mem>>) src(%dma_wait3A_34 : memref<1000000x64xf32, #tpu.memory_space<hbm>>) dst(%arg8 : memref<128x64xf32, #tpu.memory_space<vmem>>)
      %dma_wait3A_35 = arith.constant 1 : i32
      %dma_wait3A_36 = arith.constant 0 : i32
      %dma_wait3A_37 = tpu.memref_slice %arg7[%dma_wait3A_35, %scan3A_8, %dma_wait3A_36] : memref<3x4x128xi32, #tpu.memory_space<vmem>> -> memref<1x1x128xi32, #tpu.memory_space<vmem>>
      %dma_wait3A_38 = tpu.memref_squeeze %dma_wait3A_37 : memref<1x1x128xi32, #tpu.memory_space<vmem>> -> memref<128xi32, #tpu.memory_space<vmem>>
      %dma_wait3A_39 = arith.constant 0 : i32
      %dma_wait3A_40 = arith.constant 0 : i32
      %dma_wait3A_41 = tpu.memref_slice %arg4[%dma_wait3A_39, %dma_wait3A_40] : memref<1000000x64xf32, #tpu.memory_space<hbm>> -> memref<1000000x64xf32, #tpu.memory_space<hbm>>
      tpu.wait_indirect_dma semaphore(%arg13 : memref<!tpu.dma_semaphore, #tpu.memory_space<semaphore_mem>>) src(%dma_wait3A_41 : memref<1000000x64xf32, #tpu.memory_space<hbm>>) dst(%arg9 : memref<128x64xf32, #tpu.memory_space<vmem>>)
      %dma_wait3A_42 = arith.constant 2 : i32
      %dma_wait3A_43 = arith.constant 0 : i32
      %dma_wait3A_44 = tpu.memref_slice %arg7[%dma_wait3A_42, %scan3A_8, %dma_wait3A_43] : memref<3x4x128xi32, #tpu.memory_space<vmem>> -> memref<1x1x128xi32, #tpu.memory_space<vmem>>
      %dma_wait3A_45 = tpu.memref_squeeze %dma_wait3A_44 : memref<1x1x128xi32, #tpu.memory_space<vmem>> -> memref<128xi32, #tpu.memory_space<vmem>>
      %dma_wait3A_46 = arith.constant 0 : i32
      %dma_wait3A_47 = arith.constant 0 : i32
      %dma_wait3A_48 = tpu.memref_slice %arg4[%dma_wait3A_46, %dma_wait3A_47] : memref<1000000x64xf32, #tpu.memory_space<hbm>> -> memref<1000000x64xf32, #tpu.memory_space<hbm>>
      tpu.wait_indirect_dma semaphore(%arg13 : memref<!tpu.dma_semaphore, #tpu.memory_space<semaphore_mem>>) src(%dma_wait3A_48 : memref<1000000x64xf32, #tpu.memory_space<hbm>>) dst(%arg10 : memref<128x64xf32, #tpu.memory_space<vmem>>)
      %scan3A_49 = arith.constant 0 : i32
      %scan3A_50 = arith.constant 0 : i32
      %scan3A_51 = arith.constant 8 : i32
      %scan3A_52 = arith.addi %scan3A_50, %scan3A_51 : i32
      %scan3A_53 = arith.constant 1 : i32
      scf.for %scan3A_55 = %scan3A_50 to %scan3A_52 step %scan3A_53  : i32 {
        %iota3A = tpu.iota {dimensions = array<i32: 0>} : vector<16xi32>
        %mul3A_56 = arith.constant 16 : i32
        %mul3A_57 = arith.muli %scan3A_55, %mul3A_56 : i32
        %add3A_58 = vector.broadcast %mul3A_57 : i32 to vector<16xi32>
        %add3A_59 = arith.addi %iota3A, %add3A_58 : vector<16xi32>
        %broadcast_in_dim3A = arith.constant 0.000000e+00 : f32
        %broadcast_in_dim3A_60 = vector.broadcast %broadcast_in_dim3A : f32 to vector<16xf32>
        %broadcast_in_dim3A_61 = arith.constant 0.000000e+00 : f32
        %broadcast_in_dim3A_62 = vector.broadcast %broadcast_in_dim3A_61 : f32 to vector<16xf32>
        %broadcast_in_dim3A_63 = arith.constant 0 : i32
        %broadcast_in_dim3A_64 = vector.broadcast %broadcast_in_dim3A_63 : i32 to vector<16xi32>
        %gather3A = tpu.vector_load_idx %arg8[%add3A_59, %broadcast_in_dim3A_64] : memref<128x64xf32, #tpu.memory_space<vmem>>[vector<16xi32>, vector<16xi32>], vector<16xf32>,
        %gather3A_65 = tpu.vector_load_idx %arg9[%add3A_59, %broadcast_in_dim3A_64] : memref<128x64xf32, #tpu.memory_space<vmem>>[vector<16xi32>, vector<16xi32>], vector<16xf32>,
        %gather3A_66 = tpu.vector_load_idx %arg10[%add3A_59, %broadcast_in_dim3A_64] : memref<128x64xf32, #tpu.memory_space<vmem>>[vector<16xi32>, vector<16xi32>], vector<16xf32>,
        %mul3A_67 = arith.mulf %gather3A, %gather3A_65 : vector<16xf32>
        %add3A_68 = arith.addf %broadcast_in_dim3A_60, %mul3A_67 : vector<16xf32>
        %mul3A_69 = arith.mulf %gather3A, %gather3A_66 : vector<16xf32>
        %add3A_70 = arith.addf %broadcast_in_dim3A_62, %mul3A_69 : vector<16xf32>
        %broadcast_in_dim3A_71 = arith.constant 1 : i32
        %broadcast_in_dim3A_72 = vector.broadcast %broadcast_in_dim3A_71 : i32 to vector<16xi32>
        %gather3A_73 = tpu.vector_load_idx %arg8[%add3A_59, %broadcast_in_dim3A_72] : memref<128x64xf32, #tpu.memory_space<vmem>>[vector<16xi32>, vector<16xi32>], vector<16xf32>,
        %gather3A_74 = tpu.vector_load_idx %arg9[%add3A_59, %broadcast_in_dim3A_72] : memref<128x64xf32, #tpu.memory_space<vmem>>[vector<16xi32>, vector<16xi32>], vector<16xf32>,
        %gather3A_75 = tpu.vector_load_idx %arg10[%add3A_59, %broadcast_in_dim3A_72] : memref<128x64xf32, #tpu.memory_space<vmem>>[vector<16xi32>, vector<16xi32>], vector<16xf32>,
        %mul3A_76 = arith.mulf %gather3A_73, %gather3A_74 : vector<16xf32>
        %add3A_77 = arith.addf %add3A_68, %mul3A_76 : vector<16xf32>
        %mul3A_78 = arith.mulf %gather3A_73, %gather3A_75 : vector<16xf32>
        %add3A_79 = arith.addf %add3A_70, %mul3A_78 : vector<16xf32>
        %broadcast_in_dim3A_80 = arith.constant 2 : i32
        %broadcast_in_dim3A_81 = vector.broadcast %broadcast_in_dim3A_80 : i32 to vector<16xi32>
        %gather3A_82 = tpu.vector_load_idx %arg8[%add3A_59, %broadcast_in_dim3A_81] : memref<128x64xf32, #tpu.memory_space<vmem>>[vector<16xi32>, vector<16xi32>], vector<16xf32>,
        %gather3A_83 = tpu.vector_load_idx %arg9[%add3A_59, %broadcast_in_dim3A_81] : memref<128x64xf32, #tpu.memory_space<vmem>>[vector<16xi32>, vector<16xi32>], vector<16xf32>,
        %gather3A_84 = tpu.vector_load_idx %arg10[%add3A_59, %broadcast_in_dim3A_81] : memref<128x64xf32, #tpu.memory_space<vmem>>[vector<16xi32>, vector<16xi32>], vector<16xf32>,
        %mul3A_85 = arith.mulf %gather3A_82, %gather3A_83 : vector<16xf32>
        %add3A_86 = arith.addf %add3A_77, %mul3A_85 : vector<16xf32>
        %mul3A_87 = arith.mulf %gather3A_82, %gather3A_84 : vector<16xf32>
        %add3A_88 = arith.addf %add3A_79, %mul3A_87 : vector<16xf32>
        %broadcast_in_dim3A_89 = arith.constant 3 : i32
        %broadcast_in_dim3A_90 = vector.broadcast %broadcast_in_dim3A_89 : i32 to vector<16xi32>
        %gather3A_91 = tpu.vector_load_idx %arg8[%add3A_59, %broadcast_in_dim3A_90] : memref<128x64xf32, #tpu.memory_space<vmem>>[vector<16xi32>, vector<16xi32>], vector<16xf32>,
        %gather3A_92 = tpu.vector_load_idx %arg9[%add3A_59, %broadcast_in_dim3A_90] : memref<128x64xf32, #tpu.memory_space<vmem>>[vector<16xi32>, vector<16xi32>], vector<16xf32>,
        %gather3A_93 = tpu.vector_load_idx %arg10[%add3A_59, %broadcast_in_dim3A_90] : memref<128x64xf32, #tpu.memory_space<vmem>>[vector<16xi32>, vector<16xi32>], vector<16xf32>,
        %mul3A_94 = arith.mulf %gather3A_91, %gather3A_92 : vector<16xf32>
        %add3A_95 = arith.addf %add3A_86, %mul3A_94 : vector<16xf32>
        %mul3A_96 = arith.mulf %gather3A_91, %gather3A_93 : vector<16xf32>
        %add3A_97 = arith.addf %add3A_88, %mul3A_96 : vector<16xf32>
        %broadcast_in_dim3A_98 = arith.constant 4 : i32
        %broadcast_in_dim3A_99 = vector.broadcast %broadcast_in_dim3A_98 : i32 to vector<16xi32>
        %gather3A_100 = tpu.vector_load_idx %arg8[%add3A_59, %broadcast_in_dim3A_99] : memref<128x64xf32, #tpu.memory_space<vmem>>[vector<16xi32>, vector<16xi32>], vector<16xf32>,
        %gather3A_101 = tpu.vector_load_idx %arg9[%add3A_59, %broadcast_in_dim3A_99] : memref<128x64xf32, #tpu.memory_space<vmem>>[vector<16xi32>, vector<16xi32>], vector<16xf32>,
        %gather3A_102 = tpu.vector_load_idx %arg10[%add3A_59, %broadcast_in_dim3A_99] : memref<128x64xf32, #tpu.memory_space<vmem>>[vector<16xi32>, vector<16xi32>], vector<16xf32>,
        %mul3A_103 = arith.mulf %gather3A_100, %gather3A_101 : vector<16xf32>
        %add3A_104 = arith.addf %add3A_95, %mul3A_103 : vector<16xf32>
        %mul3A_105 = arith.mulf %gather3A_100, %gather3A_102 : vector<16xf32>
        %add3A_106 = arith.addf %add3A_97, %mul3A_105 : vector<16xf32>
        %broadcast_in_dim3A_107 = arith.constant 5 : i32
        %broadcast_in_dim3A_108 = vector.broadcast %broadcast_in_dim3A_107 : i32 to vector<16xi32>
        %gather3A_109 = tpu.vector_load_idx %arg8[%add3A_59, %broadcast_in_dim3A_108] : memref<128x64xf32, #tpu.memory_space<vmem>>[vector<16xi32>, vector<16xi32>], vector<16xf32>,
        %gather3A_110 = tpu.vector_load_idx %arg9[%add3A_59, %broadcast_in_dim3A_108] : memref<128x64xf32, #tpu.memory_space<vmem>>[vector<16xi32>, vector<16xi32>], vector<16xf32>,
        %gather3A_111 = tpu.vector_load_idx %arg10[%add3A_59, %broadcast_in_dim3A_108] : memref<128x64xf32, #tpu.memory_space<vmem>>[vector<16xi32>, vector<16xi32>], vector<16xf32>,
        %mul3A_112 = arith.mulf %gather3A_109, %gather3A_110 : vector<16xf32>
        %add3A_113 = arith.addf %add3A_104, %mul3A_112 : vector<16xf32>
        %mul3A_114 = arith.mulf %gather3A_109, %gather3A_111 : vector<16xf32>
        %add3A_115 = arith.addf %add3A_106, %mul3A_114 : vector<16xf32>
        %broadcast_in_dim3A_116 = arith.constant 6 : i32
        %broadcast_in_dim3A_117 = vector.broadcast %broadcast_in_dim3A_116 : i32 to vector<16xi32>
        %gather3A_118 = tpu.vector_load_idx %arg8[%add3A_59, %broadcast_in_dim3A_117] : memref<128x64xf32, #tpu.memory_space<vmem>>[vector<16xi32>, vector<16xi32>], vector<16xf32>,
        %gather3A_119 = tpu.vector_load_idx %arg9[%add3A_59, %broadcast_in_dim3A_117] : memref<128x64xf32, #tpu.memory_space<vmem>>[vector<16xi32>, vector<16xi32>], vector<16xf32>,
        %gather3A_120 = tpu.vector_load_idx %arg10[%add3A_59, %broadcast_in_dim3A_117] : memref<128x64xf32, #tpu.memory_space<vmem>>[vector<16xi32>, vector<16xi32>], vector<16xf32>,
        %mul3A_121 = arith.mulf %gather3A_118, %gather3A_119 : vector<16xf32>
        %add3A_122 = arith.addf %add3A_113, %mul3A_121 : vector<16xf32>
        %mul3A_123 = arith.mulf %gather3A_118, %gather3A_120 : vector<16xf32>
        %add3A_124 = arith.addf %add3A_115, %mul3A_123 : vector<16xf32>
        %broadcast_in_dim3A_125 = arith.constant 7 : i32
        %broadcast_in_dim3A_126 = vector.broadcast %broadcast_in_dim3A_125 : i32 to vector<16xi32>
        %gather3A_127 = tpu.vector_load_idx %arg8[%add3A_59, %broadcast_in_dim3A_126] : memref<128x64xf32, #tpu.memory_space<vmem>>[vector<16xi32>, vector<16xi32>], vector<16xf32>,
        %gather3A_128 = tpu.vector_load_idx %arg9[%add3A_59, %broadcast_in_dim3A_126] : memref<128x64xf32, #tpu.memory_space<vmem>>[vector<16xi32>, vector<16xi32>], vector<16xf32>,
        %gather3A_129 = tpu.vector_load_idx %arg10[%add3A_59, %broadcast_in_dim3A_126] : memref<128x64xf32, #tpu.memory_space<vmem>>[vector<16xi32>, vector<16xi32>], vector<16xf32>,
        %mul3A_130 = arith.mulf %gather3A_127, %gather3A_128 : vector<16xf32>
        %add3A_131 = arith.addf %add3A_122, %mul3A_130 : vector<16xf32>
        %mul3A_132 = arith.mulf %gather3A_127, %gather3A_129 : vector<16xf32>
        %add3A_133 = arith.addf %add3A_124, %mul3A_132 : vector<16xf32>
        %broadcast_in_dim3A_134 = arith.constant 8 : i32
        %broadcast_in_dim3A_135 = vector.broadcast %broadcast_in_dim3A_134 : i32 to vector<16xi32>
        %gather3A_136 = tpu.vector_load_idx %arg8[%add3A_59, %broadcast_in_dim3A_135] : memref<128x64xf32, #tpu.memory_space<vmem>>[vector<16xi32>, vector<16xi32>], vector<16xf32>,
        %gather3A_137 = tpu.vector_load_idx %arg9[%add3A_59, %broadcast_in_dim3A_135] : memref<128x64xf32, #tpu.memory_space<vmem>>[vector<16xi32>, vector<16xi32>], vector<16xf32>,
        %gather3A_138 = tpu.vector_load_idx %arg10[%add3A_59, %broadcast_in_dim3A_135] : memref<128x64xf32, #tpu.memory_space<vmem>>[vector<16xi32>, vector<16xi32>], vector<16xf32>,
        %mul3A_139 = arith.mulf %gather3A_136, %gather3A_137 : vector<16xf32>
        %add3A_140 = arith.addf %add3A_131, %mul3A_139 : vector<16xf32>
        %mul3A_141 = arith.mulf %gather3A_136, %gather3A_138 : vector<16xf32>
        %add3A_142 = arith.addf %add3A_133, %mul3A_141 : vector<16xf32>
        %broadcast_in_dim3A_143 = arith.constant 9 : i32
        %broadcast_in_dim3A_144 = vector.broadcast %broadcast_in_dim3A_143 : i32 to vector<16xi32>
        %gather3A_145 = tpu.vector_load_idx %arg8[%add3A_59, %broadcast_in_dim3A_144] : memref<128x64xf32, #tpu.memory_space<vmem>>[vector<16xi32>, vector<16xi32>], vector<16xf32>,
        %gather3A_146 = tpu.vector_load_idx %arg9[%add3A_59, %broadcast_in_dim3A_144] : memref<128x64xf32, #tpu.memory_space<vmem>>[vector<16xi32>, vector<16xi32>], vector<16xf32>,
        %gather3A_147 = tpu.vector_load_idx %arg10[%add3A_59, %broadcast_in_dim3A_144] : memref<128x64xf32, #tpu.memory_space<vmem>>[vector<16xi32>, vector<16xi32>], vector<16xf32>,
        %mul3A_148 = arith.mulf %gather3A_145, %gather3A_146 : vector<16xf32>
        %add3A_149 = arith.addf %add3A_140, %mul3A_148 : vector<16xf32>
        %mul3A_150 = arith.mulf %gather3A_145, %gather3A_147 : vector<16xf32>
        %add3A_151 = arith.addf %add3A_142, %mul3A_150 : vector<16xf32>
        %broadcast_in_dim3A_152 = arith.constant 10 : i32
        %broadcast_in_dim3A_153 = vector.broadcast %broadcast_in_dim3A_152 : i32 to vector<16xi32>
        %gather3A_154 = tpu.vector_load_idx %arg8[%add3A_59, %broadcast_in_dim3A_153] : memref<128x64xf32, #tpu.memory_space<vmem>>[vector<16xi32>, vector<16xi32>], vector<16xf32>,
        %gather3A_155 = tpu.vector_load_idx %arg9[%add3A_59, %broadcast_in_dim3A_153] : memref<128x64xf32, #tpu.memory_space<vmem>>[vector<16xi32>, vector<16xi32>], vector<16xf32>,
        %gather3A_156 = tpu.vector_load_idx %arg10[%add3A_59, %broadcast_in_dim3A_153] : memref<128x64xf32, #tpu.memory_space<vmem>>[vector<16xi32>, vector<16xi32>], vector<16xf32>,
        %mul3A_157 = arith.mulf %gather3A_154, %gather3A_155 : vector<16xf32>
        %add3A_158 = arith.addf %add3A_149, %mul3A_157 : vector<16xf32>
        %mul3A_159 = arith.mulf %gather3A_154, %gather3A_156 : vector<16xf32>
        %add3A_160 = arith.addf %add3A_151, %mul3A_159 : vector<16xf32>
        %broadcast_in_dim3A_161 = arith.constant 11 : i32
        %broadcast_in_dim3A_162 = vector.broadcast %broadcast_in_dim3A_161 : i32 to vector<16xi32>
        %gather3A_163 = tpu.vector_load_idx %arg8[%add3A_59, %broadcast_in_dim3A_162] : memref<128x64xf32, #tpu.memory_space<vmem>>[vector<16xi32>, vector<16xi32>], vector<16xf32>,
        %gather3A_164 = tpu.vector_load_idx %arg9[%add3A_59, %broadcast_in_dim3A_162] : memref<128x64xf32, #tpu.memory_space<vmem>>[vector<16xi32>, vector<16xi32>], vector<16xf32>,
        %gather3A_165 = tpu.vector_load_idx %arg10[%add3A_59, %broadcast_in_dim3A_162] : memref<128x64xf32, #tpu.memory_space<vmem>>[vector<16xi32>, vector<16xi32>], vector<16xf32>,
        %mul3A_166 = arith.mulf %gather3A_163, %gather3A_164 : vector<16xf32>
        %add3A_167 = arith.addf %add3A_158, %mul3A_166 : vector<16xf32>
        %mul3A_168 = arith.mulf %gather3A_163, %gather3A_165 : vector<16xf32>
        %add3A_169 = arith.addf %add3A_160, %mul3A_168 : vector<16xf32>
        %broadcast_in_dim3A_170 = arith.constant 12 : i32
        %broadcast_in_dim3A_171 = vector.broadcast %broadcast_in_dim3A_170 : i32 to vector<16xi32>
        %gather3A_172 = tpu.vector_load_idx %arg8[%add3A_59, %broadcast_in_dim3A_171] : memref<128x64xf32, #tpu.memory_space<vmem>>[vector<16xi32>, vector<16xi32>], vector<16xf32>,
        %gather3A_173 = tpu.vector_load_idx %arg9[%add3A_59, %broadcast_in_dim3A_171] : memref<128x64xf32, #tpu.memory_space<vmem>>[vector<16xi32>, vector<16xi32>], vector<16xf32>,
        %gather3A_174 = tpu.vector_load_idx %arg10[%add3A_59, %broadcast_in_dim3A_171] : memref<128x64xf32, #tpu.memory_space<vmem>>[vector<16xi32>, vector<16xi32>], vector<16xf32>,
        %mul3A_175 = arith.mulf %gather3A_172, %gather3A_173 : vector<16xf32>
        %add3A_176 = arith.addf %add3A_167, %mul3A_175 : vector<16xf32>
        %mul3A_177 = arith.mulf %gather3A_172, %gather3A_174 : vector<16xf32>
        %add3A_178 = arith.addf %add3A_169, %mul3A_177 : vector<16xf32>
        %broadcast_in_dim3A_179 = arith.constant 13 : i32
        %broadcast_in_dim3A_180 = vector.broadcast %broadcast_in_dim3A_179 : i32 to vector<16xi32>
        %gather3A_181 = tpu.vector_load_idx %arg8[%add3A_59, %broadcast_in_dim3A_180] : memref<128x64xf32, #tpu.memory_space<vmem>>[vector<16xi32>, vector<16xi32>], vector<16xf32>,
        %gather3A_182 = tpu.vector_load_idx %arg9[%add3A_59, %broadcast_in_dim3A_180] : memref<128x64xf32, #tpu.memory_space<vmem>>[vector<16xi32>, vector<16xi32>], vector<16xf32>,
        %gather3A_183 = tpu.vector_load_idx %arg10[%add3A_59, %broadcast_in_dim3A_180] : memref<128x64xf32, #tpu.memory_space<vmem>>[vector<16xi32>, vector<16xi32>], vector<16xf32>,
        %mul3A_184 = arith.mulf %gather3A_181, %gather3A_182 : vector<16xf32>
        %add3A_185 = arith.addf %add3A_176, %mul3A_184 : vector<16xf32>
        %mul3A_186 = arith.mulf %gather3A_181, %gather3A_183 : vector<16xf32>
        %add3A_187 = arith.addf %add3A_178, %mul3A_186 : vector<16xf32>
        %broadcast_in_dim3A_188 = arith.constant 14 : i32
        %broadcast_in_dim3A_189 = vector.broadcast %broadcast_in_dim3A_188 : i32 to vector<16xi32>
        %gather3A_190 = tpu.vector_load_idx %arg8[%add3A_59, %broadcast_in_dim3A_189] : memref<128x64xf32, #tpu.memory_space<vmem>>[vector<16xi32>, vector<16xi32>], vector<16xf32>,
        %gather3A_191 = tpu.vector_load_idx %arg9[%add3A_59, %broadcast_in_dim3A_189] : memref<128x64xf32, #tpu.memory_space<vmem>>[vector<16xi32>, vector<16xi32>], vector<16xf32>,
        %gather3A_192 = tpu.vector_load_idx %arg10[%add3A_59, %broadcast_in_dim3A_189] : memref<128x64xf32, #tpu.memory_space<vmem>>[vector<16xi32>, vector<16xi32>], vector<16xf32>,
        %mul3A_193 = arith.mulf %gather3A_190, %gather3A_191 : vector<16xf32>
        %add3A_194 = arith.addf %add3A_185, %mul3A_193 : vector<16xf32>
        %mul3A_195 = arith.mulf %gather3A_190, %gather3A_192 : vector<16xf32>
        %add3A_196 = arith.addf %add3A_187, %mul3A_195 : vector<16xf32>
        %broadcast_in_dim3A_197 = arith.constant 15 : i32
        %broadcast_in_dim3A_198 = vector.broadcast %broadcast_in_dim3A_197 : i32 to vector<16xi32>
        %gather3A_199 = tpu.vector_load_idx %arg8[%add3A_59, %broadcast_in_dim3A_198] : memref<128x64xf32, #tpu.memory_space<vmem>>[vector<16xi32>, vector<16xi32>], vector<16xf32>,
        %gather3A_200 = tpu.vector_load_idx %arg9[%add3A_59, %broadcast_in_dim3A_198] : memref<128x64xf32, #tpu.memory_space<vmem>>[vector<16xi32>, vector<16xi32>], vector<16xf32>,
        %gather3A_201 = tpu.vector_load_idx %arg10[%add3A_59, %broadcast_in_dim3A_198] : memref<128x64xf32, #tpu.memory_space<vmem>>[vector<16xi32>, vector<16xi32>], vector<16xf32>,
        %mul3A_202 = arith.mulf %gather3A_199, %gather3A_200 : vector<16xf32>
        %add3A_203 = arith.addf %add3A_194, %mul3A_202 : vector<16xf32>
        %mul3A_204 = arith.mulf %gather3A_199, %gather3A_201 : vector<16xf32>
        %add3A_205 = arith.addf %add3A_196, %mul3A_204 : vector<16xf32>
        %broadcast_in_dim3A_206 = arith.constant 16 : i32
        %broadcast_in_dim3A_207 = vector.broadcast %broadcast_in_dim3A_206 : i32 to vector<16xi32>
        %gather3A_208 = tpu.vector_load_idx %arg8[%add3A_59, %broadcast_in_dim3A_207] : memref<128x64xf32, #tpu.memory_space<vmem>>[vector<16xi32>, vector<16xi32>], vector<16xf32>,
        %gather3A_209 = tpu.vector_load_idx %arg9[%add3A_59, %broadcast_in_dim3A_207] : memref<128x64xf32, #tpu.memory_space<vmem>>[vector<16xi32>, vector<16xi32>], vector<16xf32>,
        %gather3A_210 = tpu.vector_load_idx %arg10[%add3A_59, %broadcast_in_dim3A_207] : memref<128x64xf32, #tpu.memory_space<vmem>>[vector<16xi32>, vector<16xi32>], vector<16xf32>,
        %mul3A_211 = arith.mulf %gather3A_208, %gather3A_209 : vector<16xf32>
        %add3A_212 = arith.addf %add3A_203, %mul3A_211 : vector<16xf32>
        %mul3A_213 = arith.mulf %gather3A_208, %gather3A_210 : vector<16xf32>
        %add3A_214 = arith.addf %add3A_205, %mul3A_213 : vector<16xf32>
        %broadcast_in_dim3A_215 = arith.constant 17 : i32
        %broadcast_in_dim3A_216 = vector.broadcast %broadcast_in_dim3A_215 : i32 to vector<16xi32>
        %gather3A_217 = tpu.vector_load_idx %arg8[%add3A_59, %broadcast_in_dim3A_216] : memref<128x64xf32, #tpu.memory_space<vmem>>[vector<16xi32>, vector<16xi32>], vector<16xf32>,
        %gather3A_218 = tpu.vector_load_idx %arg9[%add3A_59, %broadcast_in_dim3A_216] : memref<128x64xf32, #tpu.memory_space<vmem>>[vector<16xi32>, vector<16xi32>], vector<16xf32>,
        %gather3A_219 = tpu.vector_load_idx %arg10[%add3A_59, %broadcast_in_dim3A_216] : memref<128x64xf32, #tpu.memory_space<vmem>>[vector<16xi32>, vector<16xi32>], vector<16xf32>,
        %mul3A_220 = arith.mulf %gather3A_217, %gather3A_218 : vector<16xf32>
        %add3A_221 = arith.addf %add3A_212, %mul3A_220 : vector<16xf32>
        %mul3A_222 = arith.mulf %gather3A_217, %gather3A_219 : vector<16xf32>
        %add3A_223 = arith.addf %add3A_214, %mul3A_222 : vector<16xf32>
        %broadcast_in_dim3A_224 = arith.constant 18 : i32
        %broadcast_in_dim3A_225 = vector.broadcast %broadcast_in_dim3A_224 : i32 to vector<16xi32>
        %gather3A_226 = tpu.vector_load_idx %arg8[%add3A_59, %broadcast_in_dim3A_225] : memref<128x64xf32, #tpu.memory_space<vmem>>[vector<16xi32>, vector<16xi32>], vector<16xf32>,
        %gather3A_227 = tpu.vector_load_idx %arg9[%add3A_59, %broadcast_in_dim3A_225] : memref<128x64xf32, #tpu.memory_space<vmem>>[vector<16xi32>, vector<16xi32>], vector<16xf32>,
        %gather3A_228 = tpu.vector_load_idx %arg10[%add3A_59, %broadcast_in_dim3A_225] : memref<128x64xf32, #tpu.memory_space<vmem>>[vector<16xi32>, vector<16xi32>], vector<16xf32>,
        %mul3A_229 = arith.mulf %gather3A_226, %gather3A_227 : vector<16xf32>
        %add3A_230 = arith.addf %add3A_221, %mul3A_229 : vector<16xf32>
        %mul3A_231 = arith.mulf %gather3A_226, %gather3A_228 : vector<16xf32>
        %add3A_232 = arith.addf %add3A_223, %mul3A_231 : vector<16xf32>
        %broadcast_in_dim3A_233 = arith.constant 19 : i32
        %broadcast_in_dim3A_234 = vector.broadcast %broadcast_in_dim3A_233 : i32 to vector<16xi32>
        %gather3A_235 = tpu.vector_load_idx %arg8[%add3A_59, %broadcast_in_dim3A_234] : memref<128x64xf32, #tpu.memory_space<vmem>>[vector<16xi32>, vector<16xi32>], vector<16xf32>,
        %gather3A_236 = tpu.vector_load_idx %arg9[%add3A_59, %broadcast_in_dim3A_234] : memref<128x64xf32, #tpu.memory_space<vmem>>[vector<16xi32>, vector<16xi32>], vector<16xf32>,
        %gather3A_237 = tpu.vector_load_idx %arg10[%add3A_59, %broadcast_in_dim3A_234] : memref<128x64xf32, #tpu.memory_space<vmem>>[vector<16xi32>, vector<16xi32>], vector<16xf32>,
        %mul3A_238 = arith.mulf %gather3A_235, %gather3A_236 : vector<16xf32>
        %add3A_239 = arith.addf %add3A_230, %mul3A_238 : vector<16xf32>
        %mul3A_240 = arith.mulf %gather3A_235, %gather3A_237 : vector<16xf32>
        %add3A_241 = arith.addf %add3A_232, %mul3A_240 : vector<16xf32>
        %broadcast_in_dim3A_242 = arith.constant 20 : i32
        %broadcast_in_dim3A_243 = vector.broadcast %broadcast_in_dim3A_242 : i32 to vector<16xi32>
        %gather3A_244 = tpu.vector_load_idx %arg8[%add3A_59, %broadcast_in_dim3A_243] : memref<128x64xf32, #tpu.memory_space<vmem>>[vector<16xi32>, vector<16xi32>], vector<16xf32>,
        %gather3A_245 = tpu.vector_load_idx %arg9[%add3A_59, %broadcast_in_dim3A_243] : memref<128x64xf32, #tpu.memory_space<vmem>>[vector<16xi32>, vector<16xi32>], vector<16xf32>,
        %gather3A_246 = tpu.vector_load_idx %arg10[%add3A_59, %broadcast_in_dim3A_243] : memref<128x64xf32, #tpu.memory_space<vmem>>[vector<16xi32>, vector<16xi32>], vector<16xf32>,
        %mul3A_247 = arith.mulf %gather3A_244, %gather3A_245 : vector<16xf32>
        %add3A_248 = arith.addf %add3A_239, %mul3A_247 : vector<16xf32>
        %mul3A_249 = arith.mulf %gather3A_244, %gather3A_246 : vector<16xf32>
        %add3A_250 = arith.addf %add3A_241, %mul3A_249 : vector<16xf32>
        %broadcast_in_dim3A_251 = arith.constant 21 : i32
        %broadcast_in_dim3A_252 = vector.broadcast %broadcast_in_dim3A_251 : i32 to vector<16xi32>
        %gather3A_253 = tpu.vector_load_idx %arg8[%add3A_59, %broadcast_in_dim3A_252] : memref<128x64xf32, #tpu.memory_space<vmem>>[vector<16xi32>, vector<16xi32>], vector<16xf32>,
        %gather3A_254 = tpu.vector_load_idx %arg9[%add3A_59, %broadcast_in_dim3A_252] : memref<128x64xf32, #tpu.memory_space<vmem>>[vector<16xi32>, vector<16xi32>], vector<16xf32>,
        %gather3A_255 = tpu.vector_load_idx %arg10[%add3A_59, %broadcast_in_dim3A_252] : memref<128x64xf32, #tpu.memory_space<vmem>>[vector<16xi32>, vector<16xi32>], vector<16xf32>,
        %mul3A_256 = arith.mulf %gather3A_253, %gather3A_254 : vector<16xf32>
        %add3A_257 = arith.addf %add3A_248, %mul3A_256 : vector<16xf32>
        %mul3A_258 = arith.mulf %gather3A_253, %gather3A_255 : vector<16xf32>
        %add3A_259 = arith.addf %add3A_250, %mul3A_258 : vector<16xf32>
        %broadcast_in_dim3A_260 = arith.constant 22 : i32
        %broadcast_in_dim3A_261 = vector.broadcast %broadcast_in_dim3A_260 : i32 to vector<16xi32>
        %gather3A_262 = tpu.vector_load_idx %arg8[%add3A_59, %broadcast_in_dim3A_261] : memref<128x64xf32, #tpu.memory_space<vmem>>[vector<16xi32>, vector<16xi32>], vector<16xf32>,
        %gather3A_263 = tpu.vector_load_idx %arg9[%add3A_59, %broadcast_in_dim3A_261] : memref<128x64xf32, #tpu.memory_space<vmem>>[vector<16xi32>, vector<16xi32>], vector<16xf32>,
        %gather3A_264 = tpu.vector_load_idx %arg10[%add3A_59, %broadcast_in_dim3A_261] : memref<128x64xf32, #tpu.memory_space<vmem>>[vector<16xi32>, vector<16xi32>], vector<16xf32>,
        %mul3A_265 = arith.mulf %gather3A_262, %gather3A_263 : vector<16xf32>
        %add3A_266 = arith.addf %add3A_257, %mul3A_265 : vector<16xf32>
        %mul3A_267 = arith.mulf %gather3A_262, %gather3A_264 : vector<16xf32>
        %add3A_268 = arith.addf %add3A_259, %mul3A_267 : vector<16xf32>
        %broadcast_in_dim3A_269 = arith.constant 23 : i32
        %broadcast_in_dim3A_270 = vector.broadcast %broadcast_in_dim3A_269 : i32 to vector<16xi32>
        %gather3A_271 = tpu.vector_load_idx %arg8[%add3A_59, %broadcast_in_dim3A_270] : memref<128x64xf32, #tpu.memory_space<vmem>>[vector<16xi32>, vector<16xi32>], vector<16xf32>,
        %gather3A_272 = tpu.vector_load_idx %arg9[%add3A_59, %broadcast_in_dim3A_270] : memref<128x64xf32, #tpu.memory_space<vmem>>[vector<16xi32>, vector<16xi32>], vector<16xf32>,
        %gather3A_273 = tpu.vector_load_idx %arg10[%add3A_59, %broadcast_in_dim3A_270] : memref<128x64xf32, #tpu.memory_space<vmem>>[vector<16xi32>, vector<16xi32>], vector<16xf32>,
        %mul3A_274 = arith.mulf %gather3A_271, %gather3A_272 : vector<16xf32>
        %add3A_275 = arith.addf %add3A_266, %mul3A_274 : vector<16xf32>
        %mul3A_276 = arith.mulf %gather3A_271, %gather3A_273 : vector<16xf32>
        %add3A_277 = arith.addf %add3A_268, %mul3A_276 : vector<16xf32>
        %broadcast_in_dim3A_278 = arith.constant 24 : i32
        %broadcast_in_dim3A_279 = vector.broadcast %broadcast_in_dim3A_278 : i32 to vector<16xi32>
        %gather3A_280 = tpu.vector_load_idx %arg8[%add3A_59, %broadcast_in_dim3A_279] : memref<128x64xf32, #tpu.memory_space<vmem>>[vector<16xi32>, vector<16xi32>], vector<16xf32>,
        %gather3A_281 = tpu.vector_load_idx %arg9[%add3A_59, %broadcast_in_dim3A_279] : memref<128x64xf32, #tpu.memory_space<vmem>>[vector<16xi32>, vector<16xi32>], vector<16xf32>,
        %gather3A_282 = tpu.vector_load_idx %arg10[%add3A_59, %broadcast_in_dim3A_279] : memref<128x64xf32, #tpu.memory_space<vmem>>[vector<16xi32>, vector<16xi32>], vector<16xf32>,
        %mul3A_283 = arith.mulf %gather3A_280, %gather3A_281 : vector<16xf32>
        %add3A_284 = arith.addf %add3A_275, %mul3A_283 : vector<16xf32>
        %mul3A_285 = arith.mulf %gather3A_280, %gather3A_282 : vector<16xf32>
        %add3A_286 = arith.addf %add3A_277, %mul3A_285 : vector<16xf32>
        %broadcast_in_dim3A_287 = arith.constant 25 : i32
        %broadcast_in_dim3A_288 = vector.broadcast %broadcast_in_dim3A_287 : i32 to vector<16xi32>
        %gather3A_289 = tpu.vector_load_idx %arg8[%add3A_59, %broadcast_in_dim3A_288] : memref<128x64xf32, #tpu.memory_space<vmem>>[vector<16xi32>, vector<16xi32>], vector<16xf32>,
        %gather3A_290 = tpu.vector_load_idx %arg9[%add3A_59, %broadcast_in_dim3A_288] : memref<128x64xf32, #tpu.memory_space<vmem>>[vector<16xi32>, vector<16xi32>], vector<16xf32>,
        %gather3A_291 = tpu.vector_load_idx %arg10[%add3A_59, %broadcast_in_dim3A_288] : memref<128x64xf32, #tpu.memory_space<vmem>>[vector<16xi32>, vector<16xi32>], vector<16xf32>,
        %mul3A_292 = arith.mulf %gather3A_289, %gather3A_290 : vector<16xf32>
        %add3A_293 = arith.addf %add3A_284, %mul3A_292 : vector<16xf32>
        %mul3A_294 = arith.mulf %gather3A_289, %gather3A_291 : vector<16xf32>
        %add3A_295 = arith.addf %add3A_286, %mul3A_294 : vector<16xf32>
        %broadcast_in_dim3A_296 = arith.constant 26 : i32
        %broadcast_in_dim3A_297 = vector.broadcast %broadcast_in_dim3A_296 : i32 to vector<16xi32>
        %gather3A_298 = tpu.vector_load_idx %arg8[%add3A_59, %broadcast_in_dim3A_297] : memref<128x64xf32, #tpu.memory_space<vmem>>[vector<16xi32>, vector<16xi32>], vector<16xf32>,
        %gather3A_299 = tpu.vector_load_idx %arg9[%add3A_59, %broadcast_in_dim3A_297] : memref<128x64xf32, #tpu.memory_space<vmem>>[vector<16xi32>, vector<16xi32>], vector<16xf32>,
        %gather3A_300 = tpu.vector_load_idx %arg10[%add3A_59, %broadcast_in_dim3A_297] : memref<128x64xf32, #tpu.memory_space<vmem>>[vector<16xi32>, vector<16xi32>], vector<16xf32>,
        %mul3A_301 = arith.mulf %gather3A_298, %gather3A_299 : vector<16xf32>
        %add3A_302 = arith.addf %add3A_293, %mul3A_301 : vector<16xf32>
        %mul3A_303 = arith.mulf %gather3A_298, %gather3A_300 : vector<16xf32>
        %add3A_304 = arith.addf %add3A_295, %mul3A_303 : vector<16xf32>
        %broadcast_in_dim3A_305 = arith.constant 27 : i32
        %broadcast_in_dim3A_306 = vector.broadcast %broadcast_in_dim3A_305 : i32 to vector<16xi32>
        %gather3A_307 = tpu.vector_load_idx %arg8[%add3A_59, %broadcast_in_dim3A_306] : memref<128x64xf32, #tpu.memory_space<vmem>>[vector<16xi32>, vector<16xi32>], vector<16xf32>,
        %gather3A_308 = tpu.vector_load_idx %arg9[%add3A_59, %broadcast_in_dim3A_306] : memref<128x64xf32, #tpu.memory_space<vmem>>[vector<16xi32>, vector<16xi32>], vector<16xf32>,
        %gather3A_309 = tpu.vector_load_idx %arg10[%add3A_59, %broadcast_in_dim3A_306] : memref<128x64xf32, #tpu.memory_space<vmem>>[vector<16xi32>, vector<16xi32>], vector<16xf32>,
        %mul3A_310 = arith.mulf %gather3A_307, %gather3A_308 : vector<16xf32>
        %add3A_311 = arith.addf %add3A_302, %mul3A_310 : vector<16xf32>
        %mul3A_312 = arith.mulf %gather3A_307, %gather3A_309 : vector<16xf32>
        %add3A_313 = arith.addf %add3A_304, %mul3A_312 : vector<16xf32>
        %broadcast_in_dim3A_314 = arith.constant 28 : i32
        %broadcast_in_dim3A_315 = vector.broadcast %broadcast_in_dim3A_314 : i32 to vector<16xi32>
        %gather3A_316 = tpu.vector_load_idx %arg8[%add3A_59, %broadcast_in_dim3A_315] : memref<128x64xf32, #tpu.memory_space<vmem>>[vector<16xi32>, vector<16xi32>], vector<16xf32>,
        %gather3A_317 = tpu.vector_load_idx %arg9[%add3A_59, %broadcast_in_dim3A_315] : memref<128x64xf32, #tpu.memory_space<vmem>>[vector<16xi32>, vector<16xi32>], vector<16xf32>,
        %gather3A_318 = tpu.vector_load_idx %arg10[%add3A_59, %broadcast_in_dim3A_315] : memref<128x64xf32, #tpu.memory_space<vmem>>[vector<16xi32>, vector<16xi32>], vector<16xf32>,
        %mul3A_319 = arith.mulf %gather3A_316, %gather3A_317 : vector<16xf32>
        %add3A_320 = arith.addf %add3A_311, %mul3A_319 : vector<16xf32>
        %mul3A_321 = arith.mulf %gather3A_316, %gather3A_318 : vector<16xf32>
        %add3A_322 = arith.addf %add3A_313, %mul3A_321 : vector<16xf32>
        %broadcast_in_dim3A_323 = arith.constant 29 : i32
        %broadcast_in_dim3A_324 = vector.broadcast %broadcast_in_dim3A_323 : i32 to vector<16xi32>
        %gather3A_325 = tpu.vector_load_idx %arg8[%add3A_59, %broadcast_in_dim3A_324] : memref<128x64xf32, #tpu.memory_space<vmem>>[vector<16xi32>, vector<16xi32>], vector<16xf32>,
        %gather3A_326 = tpu.vector_load_idx %arg9[%add3A_59, %broadcast_in_dim3A_324] : memref<128x64xf32, #tpu.memory_space<vmem>>[vector<16xi32>, vector<16xi32>], vector<16xf32>,
        %gather3A_327 = tpu.vector_load_idx %arg10[%add3A_59, %broadcast_in_dim3A_324] : memref<128x64xf32, #tpu.memory_space<vmem>>[vector<16xi32>, vector<16xi32>], vector<16xf32>,
        %mul3A_328 = arith.mulf %gather3A_325, %gather3A_326 : vector<16xf32>
        %add3A_329 = arith.addf %add3A_320, %mul3A_328 : vector<16xf32>
        %mul3A_330 = arith.mulf %gather3A_325, %gather3A_327 : vector<16xf32>
        %add3A_331 = arith.addf %add3A_322, %mul3A_330 : vector<16xf32>
        %broadcast_in_dim3A_332 = arith.constant 30 : i32
        %broadcast_in_dim3A_333 = vector.broadcast %broadcast_in_dim3A_332 : i32 to vector<16xi32>
        %gather3A_334 = tpu.vector_load_idx %arg8[%add3A_59, %broadcast_in_dim3A_333] : memref<128x64xf32, #tpu.memory_space<vmem>>[vector<16xi32>, vector<16xi32>], vector<16xf32>,
        %gather3A_335 = tpu.vector_load_idx %arg9[%add3A_59, %broadcast_in_dim3A_333] : memref<128x64xf32, #tpu.memory_space<vmem>>[vector<16xi32>, vector<16xi32>], vector<16xf32>,
        %gather3A_336 = tpu.vector_load_idx %arg10[%add3A_59, %broadcast_in_dim3A_333] : memref<128x64xf32, #tpu.memory_space<vmem>>[vector<16xi32>, vector<16xi32>], vector<16xf32>,
        %mul3A_337 = arith.mulf %gather3A_334, %gather3A_335 : vector<16xf32>
        %add3A_338 = arith.addf %add3A_329, %mul3A_337 : vector<16xf32>
        %mul3A_339 = arith.mulf %gather3A_334, %gather3A_336 : vector<16xf32>
        %add3A_340 = arith.addf %add3A_331, %mul3A_339 : vector<16xf32>
        %broadcast_in_dim3A_341 = arith.constant 31 : i32
        %broadcast_in_dim3A_342 = vector.broadcast %broadcast_in_dim3A_341 : i32 to vector<16xi32>
        %gather3A_343 = tpu.vector_load_idx %arg8[%add3A_59, %broadcast_in_dim3A_342] : memref<128x64xf32, #tpu.memory_space<vmem>>[vector<16xi32>, vector<16xi32>], vector<16xf32>,
        %gather3A_344 = tpu.vector_load_idx %arg9[%add3A_59, %broadcast_in_dim3A_342] : memref<128x64xf32, #tpu.memory_space<vmem>>[vector<16xi32>, vector<16xi32>], vector<16xf32>,
        %gather3A_345 = tpu.vector_load_idx %arg10[%add3A_59, %broadcast_in_dim3A_342] : memref<128x64xf32, #tpu.memory_space<vmem>>[vector<16xi32>, vector<16xi32>], vector<16xf32>,
        %mul3A_346 = arith.mulf %gather3A_343, %gather3A_344 : vector<16xf32>
        %add3A_347 = arith.addf %add3A_338, %mul3A_346 : vector<16xf32>
        %mul3A_348 = arith.mulf %gather3A_343, %gather3A_345 : vector<16xf32>
        %add3A_349 = arith.addf %add3A_340, %mul3A_348 : vector<16xf32>
        %broadcast_in_dim3A_350 = arith.constant 32 : i32
        %broadcast_in_dim3A_351 = vector.broadcast %broadcast_in_dim3A_350 : i32 to vector<16xi32>
        %gather3A_352 = tpu.vector_load_idx %arg8[%add3A_59, %broadcast_in_dim3A_351] : memref<128x64xf32, #tpu.memory_space<vmem>>[vector<16xi32>, vector<16xi32>], vector<16xf32>,
        %gather3A_353 = tpu.vector_load_idx %arg9[%add3A_59, %broadcast_in_dim3A_351] : memref<128x64xf32, #tpu.memory_space<vmem>>[vector<16xi32>, vector<16xi32>], vector<16xf32>,
        %gather3A_354 = tpu.vector_load_idx %arg10[%add3A_59, %broadcast_in_dim3A_351] : memref<128x64xf32, #tpu.memory_space<vmem>>[vector<16xi32>, vector<16xi32>], vector<16xf32>,
        %mul3A_355 = arith.mulf %gather3A_352, %gather3A_353 : vector<16xf32>
        %add3A_356 = arith.addf %add3A_347, %mul3A_355 : vector<16xf32>
        %mul3A_357 = arith.mulf %gather3A_352, %gather3A_354 : vector<16xf32>
        %add3A_358 = arith.addf %add3A_349, %mul3A_357 : vector<16xf32>
        %broadcast_in_dim3A_359 = arith.constant 33 : i32
        %broadcast_in_dim3A_360 = vector.broadcast %broadcast_in_dim3A_359 : i32 to vector<16xi32>
        %gather3A_361 = tpu.vector_load_idx %arg8[%add3A_59, %broadcast_in_dim3A_360] : memref<128x64xf32, #tpu.memory_space<vmem>>[vector<16xi32>, vector<16xi32>], vector<16xf32>,
        %gather3A_362 = tpu.vector_load_idx %arg9[%add3A_59, %broadcast_in_dim3A_360] : memref<128x64xf32, #tpu.memory_space<vmem>>[vector<16xi32>, vector<16xi32>], vector<16xf32>,
        %gather3A_363 = tpu.vector_load_idx %arg10[%add3A_59, %broadcast_in_dim3A_360] : memref<128x64xf32, #tpu.memory_space<vmem>>[vector<16xi32>, vector<16xi32>], vector<16xf32>,
        %mul3A_364 = arith.mulf %gather3A_361, %gather3A_362 : vector<16xf32>
        %add3A_365 = arith.addf %add3A_356, %mul3A_364 : vector<16xf32>
        %mul3A_366 = arith.mulf %gather3A_361, %gather3A_363 : vector<16xf32>
        %add3A_367 = arith.addf %add3A_358, %mul3A_366 : vector<16xf32>
        %broadcast_in_dim3A_368 = arith.constant 34 : i32
        %broadcast_in_dim3A_369 = vector.broadcast %broadcast_in_dim3A_368 : i32 to vector<16xi32>
        %gather3A_370 = tpu.vector_load_idx %arg8[%add3A_59, %broadcast_in_dim3A_369] : memref<128x64xf32, #tpu.memory_space<vmem>>[vector<16xi32>, vector<16xi32>], vector<16xf32>,
        %gather3A_371 = tpu.vector_load_idx %arg9[%add3A_59, %broadcast_in_dim3A_369] : memref<128x64xf32, #tpu.memory_space<vmem>>[vector<16xi32>, vector<16xi32>], vector<16xf32>,
        %gather3A_372 = tpu.vector_load_idx %arg10[%add3A_59, %broadcast_in_dim3A_369] : memref<128x64xf32, #tpu.memory_space<vmem>>[vector<16xi32>, vector<16xi32>], vector<16xf32>,
        %mul3A_373 = arith.mulf %gather3A_370, %gather3A_371 : vector<16xf32>
        %add3A_374 = arith.addf %add3A_365, %mul3A_373 : vector<16xf32>
        %mul3A_375 = arith.mulf %gather3A_370, %gather3A_372 : vector<16xf32>
        %add3A_376 = arith.addf %add3A_367, %mul3A_375 : vector<16xf32>
        %broadcast_in_dim3A_377 = arith.constant 35 : i32
        %broadcast_in_dim3A_378 = vector.broadcast %broadcast_in_dim3A_377 : i32 to vector<16xi32>
        %gather3A_379 = tpu.vector_load_idx %arg8[%add3A_59, %broadcast_in_dim3A_378] : memref<128x64xf32, #tpu.memory_space<vmem>>[vector<16xi32>, vector<16xi32>], vector<16xf32>,
        %gather3A_380 = tpu.vector_load_idx %arg9[%add3A_59, %broadcast_in_dim3A_378] : memref<128x64xf32, #tpu.memory_space<vmem>>[vector<16xi32>, vector<16xi32>], vector<16xf32>,
        %gather3A_381 = tpu.vector_load_idx %arg10[%add3A_59, %broadcast_in_dim3A_378] : memref<128x64xf32, #tpu.memory_space<vmem>>[vector<16xi32>, vector<16xi32>], vector<16xf32>,
        %mul3A_382 = arith.mulf %gather3A_379, %gather3A_380 : vector<16xf32>
        %add3A_383 = arith.addf %add3A_374, %mul3A_382 : vector<16xf32>
        %mul3A_384 = arith.mulf %gather3A_379, %gather3A_381 : vector<16xf32>
        %add3A_385 = arith.addf %add3A_376, %mul3A_384 : vector<16xf32>
        %broadcast_in_dim3A_386 = arith.constant 36 : i32
        %broadcast_in_dim3A_387 = vector.broadcast %broadcast_in_dim3A_386 : i32 to vector<16xi32>
        %gather3A_388 = tpu.vector_load_idx %arg8[%add3A_59, %broadcast_in_dim3A_387] : memref<128x64xf32, #tpu.memory_space<vmem>>[vector<16xi32>, vector<16xi32>], vector<16xf32>,
        %gather3A_389 = tpu.vector_load_idx %arg9[%add3A_59, %broadcast_in_dim3A_387] : memref<128x64xf32, #tpu.memory_space<vmem>>[vector<16xi32>, vector<16xi32>], vector<16xf32>,
        %gather3A_390 = tpu.vector_load_idx %arg10[%add3A_59, %broadcast_in_dim3A_387] : memref<128x64xf32, #tpu.memory_space<vmem>>[vector<16xi32>, vector<16xi32>], vector<16xf32>,
        %mul3A_391 = arith.mulf %gather3A_388, %gather3A_389 : vector<16xf32>
        %add3A_392 = arith.addf %add3A_383, %mul3A_391 : vector<16xf32>
        %mul3A_393 = arith.mulf %gather3A_388, %gather3A_390 : vector<16xf32>
        %add3A_394 = arith.addf %add3A_385, %mul3A_393 : vector<16xf32>
        %broadcast_in_dim3A_395 = arith.constant 37 : i32
        %broadcast_in_dim3A_396 = vector.broadcast %broadcast_in_dim3A_395 : i32 to vector<16xi32>
        %gather3A_397 = tpu.vector_load_idx %arg8[%add3A_59, %broadcast_in_dim3A_396] : memref<128x64xf32, #tpu.memory_space<vmem>>[vector<16xi32>, vector<16xi32>], vector<16xf32>,
        %gather3A_398 = tpu.vector_load_idx %arg9[%add3A_59, %broadcast_in_dim3A_396] : memref<128x64xf32, #tpu.memory_space<vmem>>[vector<16xi32>, vector<16xi32>], vector<16xf32>,
        %gather3A_399 = tpu.vector_load_idx %arg10[%add3A_59, %broadcast_in_dim3A_396] : memref<128x64xf32, #tpu.memory_space<vmem>>[vector<16xi32>, vector<16xi32>], vector<16xf32>,
        %mul3A_400 = arith.mulf %gather3A_397, %gather3A_398 : vector<16xf32>
        %add3A_401 = arith.addf %add3A_392, %mul3A_400 : vector<16xf32>
        %mul3A_402 = arith.mulf %gather3A_397, %gather3A_399 : vector<16xf32>
        %add3A_403 = arith.addf %add3A_394, %mul3A_402 : vector<16xf32>
        %broadcast_in_dim3A_404 = arith.constant 38 : i32
        %broadcast_in_dim3A_405 = vector.broadcast %broadcast_in_dim3A_404 : i32 to vector<16xi32>
        %gather3A_406 = tpu.vector_load_idx %arg8[%add3A_59, %broadcast_in_dim3A_405] : memref<128x64xf32, #tpu.memory_space<vmem>>[vector<16xi32>, vector<16xi32>], vector<16xf32>,
        %gather3A_407 = tpu.vector_load_idx %arg9[%add3A_59, %broadcast_in_dim3A_405] : memref<128x64xf32, #tpu.memory_space<vmem>>[vector<16xi32>, vector<16xi32>], vector<16xf32>,
        %gather3A_408 = tpu.vector_load_idx %arg10[%add3A_59, %broadcast_in_dim3A_405] : memref<128x64xf32, #tpu.memory_space<vmem>>[vector<16xi32>, vector<16xi32>], vector<16xf32>,
        %mul3A_409 = arith.mulf %gather3A_406, %gather3A_407 : vector<16xf32>
        %add3A_410 = arith.addf %add3A_401, %mul3A_409 : vector<16xf32>
        %mul3A_411 = arith.mulf %gather3A_406, %gather3A_408 : vector<16xf32>
        %add3A_412 = arith.addf %add3A_403, %mul3A_411 : vector<16xf32>
        %broadcast_in_dim3A_413 = arith.constant 39 : i32
        %broadcast_in_dim3A_414 = vector.broadcast %broadcast_in_dim3A_413 : i32 to vector<16xi32>
        %gather3A_415 = tpu.vector_load_idx %arg8[%add3A_59, %broadcast_in_dim3A_414] : memref<128x64xf32, #tpu.memory_space<vmem>>[vector<16xi32>, vector<16xi32>], vector<16xf32>,
        %gather3A_416 = tpu.vector_load_idx %arg9[%add3A_59, %broadcast_in_dim3A_414] : memref<128x64xf32, #tpu.memory_space<vmem>>[vector<16xi32>, vector<16xi32>], vector<16xf32>,
        %gather3A_417 = tpu.vector_load_idx %arg10[%add3A_59, %broadcast_in_dim3A_414] : memref<128x64xf32, #tpu.memory_space<vmem>>[vector<16xi32>, vector<16xi32>], vector<16xf32>,
        %mul3A_418 = arith.mulf %gather3A_415, %gather3A_416 : vector<16xf32>
        %add3A_419 = arith.addf %add3A_410, %mul3A_418 : vector<16xf32>
        %mul3A_420 = arith.mulf %gather3A_415, %gather3A_417 : vector<16xf32>
        %add3A_421 = arith.addf %add3A_412, %mul3A_420 : vector<16xf32>
        %broadcast_in_dim3A_422 = arith.constant 40 : i32
        %broadcast_in_dim3A_423 = vector.broadcast %broadcast_in_dim3A_422 : i32 to vector<16xi32>
        %gather3A_424 = tpu.vector_load_idx %arg8[%add3A_59, %broadcast_in_dim3A_423] : memref<128x64xf32, #tpu.memory_space<vmem>>[vector<16xi32>, vector<16xi32>], vector<16xf32>,
        %gather3A_425 = tpu.vector_load_idx %arg9[%add3A_59, %broadcast_in_dim3A_423] : memref<128x64xf32, #tpu.memory_space<vmem>>[vector<16xi32>, vector<16xi32>], vector<16xf32>,
        %gather3A_426 = tpu.vector_load_idx %arg10[%add3A_59, %broadcast_in_dim3A_423] : memref<128x64xf32, #tpu.memory_space<vmem>>[vector<16xi32>, vector<16xi32>], vector<16xf32>,
        %mul3A_427 = arith.mulf %gather3A_424, %gather3A_425 : vector<16xf32>
        %add3A_428 = arith.addf %add3A_419, %mul3A_427 : vector<16xf32>
        %mul3A_429 = arith.mulf %gather3A_424, %gather3A_426 : vector<16xf32>
        %add3A_430 = arith.addf %add3A_421, %mul3A_429 : vector<16xf32>
        %broadcast_in_dim3A_431 = arith.constant 41 : i32
        %broadcast_in_dim3A_432 = vector.broadcast %broadcast_in_dim3A_431 : i32 to vector<16xi32>
        %gather3A_433 = tpu.vector_load_idx %arg8[%add3A_59, %broadcast_in_dim3A_432] : memref<128x64xf32, #tpu.memory_space<vmem>>[vector<16xi32>, vector<16xi32>], vector<16xf32>,
        %gather3A_434 = tpu.vector_load_idx %arg9[%add3A_59, %broadcast_in_dim3A_432] : memref<128x64xf32, #tpu.memory_space<vmem>>[vector<16xi32>, vector<16xi32>], vector<16xf32>,
        %gather3A_435 = tpu.vector_load_idx %arg10[%add3A_59, %broadcast_in_dim3A_432] : memref<128x64xf32, #tpu.memory_space<vmem>>[vector<16xi32>, vector<16xi32>], vector<16xf32>,
        %mul3A_436 = arith.mulf %gather3A_433, %gather3A_434 : vector<16xf32>
        %add3A_437 = arith.addf %add3A_428, %mul3A_436 : vector<16xf32>
        %mul3A_438 = arith.mulf %gather3A_433, %gather3A_435 : vector<16xf32>
        %add3A_439 = arith.addf %add3A_430, %mul3A_438 : vector<16xf32>
        %broadcast_in_dim3A_440 = arith.constant 42 : i32
        %broadcast_in_dim3A_441 = vector.broadcast %broadcast_in_dim3A_440 : i32 to vector<16xi32>
        %gather3A_442 = tpu.vector_load_idx %arg8[%add3A_59, %broadcast_in_dim3A_441] : memref<128x64xf32, #tpu.memory_space<vmem>>[vector<16xi32>, vector<16xi32>], vector<16xf32>,
        %gather3A_443 = tpu.vector_load_idx %arg9[%add3A_59, %broadcast_in_dim3A_441] : memref<128x64xf32, #tpu.memory_space<vmem>>[vector<16xi32>, vector<16xi32>], vector<16xf32>,
        %gather3A_444 = tpu.vector_load_idx %arg10[%add3A_59, %broadcast_in_dim3A_441] : memref<128x64xf32, #tpu.memory_space<vmem>>[vector<16xi32>, vector<16xi32>], vector<16xf32>,
        %mul3A_445 = arith.mulf %gather3A_442, %gather3A_443 : vector<16xf32>
        %add3A_446 = arith.addf %add3A_437, %mul3A_445 : vector<16xf32>
        %mul3A_447 = arith.mulf %gather3A_442, %gather3A_444 : vector<16xf32>
        %add3A_448 = arith.addf %add3A_439, %mul3A_447 : vector<16xf32>
        %broadcast_in_dim3A_449 = arith.constant 43 : i32
        %broadcast_in_dim3A_450 = vector.broadcast %broadcast_in_dim3A_449 : i32 to vector<16xi32>
        %gather3A_451 = tpu.vector_load_idx %arg8[%add3A_59, %broadcast_in_dim3A_450] : memref<128x64xf32, #tpu.memory_space<vmem>>[vector<16xi32>, vector<16xi32>], vector<16xf32>,
        %gather3A_452 = tpu.vector_load_idx %arg9[%add3A_59, %broadcast_in_dim3A_450] : memref<128x64xf32, #tpu.memory_space<vmem>>[vector<16xi32>, vector<16xi32>], vector<16xf32>,
        %gather3A_453 = tpu.vector_load_idx %arg10[%add3A_59, %broadcast_in_dim3A_450] : memref<128x64xf32, #tpu.memory_space<vmem>>[vector<16xi32>, vector<16xi32>], vector<16xf32>,
        %mul3A_454 = arith.mulf %gather3A_451, %gather3A_452 : vector<16xf32>
        %add3A_455 = arith.addf %add3A_446, %mul3A_454 : vector<16xf32>
        %mul3A_456 = arith.mulf %gather3A_451, %gather3A_453 : vector<16xf32>
        %add3A_457 = arith.addf %add3A_448, %mul3A_456 : vector<16xf32>
        %broadcast_in_dim3A_458 = arith.constant 44 : i32
        %broadcast_in_dim3A_459 = vector.broadcast %broadcast_in_dim3A_458 : i32 to vector<16xi32>
        %gather3A_460 = tpu.vector_load_idx %arg8[%add3A_59, %broadcast_in_dim3A_459] : memref<128x64xf32, #tpu.memory_space<vmem>>[vector<16xi32>, vector<16xi32>], vector<16xf32>,
        %gather3A_461 = tpu.vector_load_idx %arg9[%add3A_59, %broadcast_in_dim3A_459] : memref<128x64xf32, #tpu.memory_space<vmem>>[vector<16xi32>, vector<16xi32>], vector<16xf32>,
        %gather3A_462 = tpu.vector_load_idx %arg10[%add3A_59, %broadcast_in_dim3A_459] : memref<128x64xf32, #tpu.memory_space<vmem>>[vector<16xi32>, vector<16xi32>], vector<16xf32>,
        %mul3A_463 = arith.mulf %gather3A_460, %gather3A_461 : vector<16xf32>
        %add3A_464 = arith.addf %add3A_455, %mul3A_463 : vector<16xf32>
        %mul3A_465 = arith.mulf %gather3A_460, %gather3A_462 : vector<16xf32>
        %add3A_466 = arith.addf %add3A_457, %mul3A_465 : vector<16xf32>
        %broadcast_in_dim3A_467 = arith.constant 45 : i32
        %broadcast_in_dim3A_468 = vector.broadcast %broadcast_in_dim3A_467 : i32 to vector<16xi32>
        %gather3A_469 = tpu.vector_load_idx %arg8[%add3A_59, %broadcast_in_dim3A_468] : memref<128x64xf32, #tpu.memory_space<vmem>>[vector<16xi32>, vector<16xi32>], vector<16xf32>,
        %gather3A_470 = tpu.vector_load_idx %arg9[%add3A_59, %broadcast_in_dim3A_468] : memref<128x64xf32, #tpu.memory_space<vmem>>[vector<16xi32>, vector<16xi32>], vector<16xf32>,
        %gather3A_471 = tpu.vector_load_idx %arg10[%add3A_59, %broadcast_in_dim3A_468] : memref<128x64xf32, #tpu.memory_space<vmem>>[vector<16xi32>, vector<16xi32>], vector<16xf32>,
        %mul3A_472 = arith.mulf %gather3A_469, %gather3A_470 : vector<16xf32>
        %add3A_473 = arith.addf %add3A_464, %mul3A_472 : vector<16xf32>
        %mul3A_474 = arith.mulf %gather3A_469, %gather3A_471 : vector<16xf32>
        %add3A_475 = arith.addf %add3A_466, %mul3A_474 : vector<16xf32>
        %broadcast_in_dim3A_476 = arith.constant 46 : i32
        %broadcast_in_dim3A_477 = vector.broadcast %broadcast_in_dim3A_476 : i32 to vector<16xi32>
        %gather3A_478 = tpu.vector_load_idx %arg8[%add3A_59, %broadcast_in_dim3A_477] : memref<128x64xf32, #tpu.memory_space<vmem>>[vector<16xi32>, vector<16xi32>], vector<16xf32>,
        %gather3A_479 = tpu.vector_load_idx %arg9[%add3A_59, %broadcast_in_dim3A_477] : memref<128x64xf32, #tpu.memory_space<vmem>>[vector<16xi32>, vector<16xi32>], vector<16xf32>,
        %gather3A_480 = tpu.vector_load_idx %arg10[%add3A_59, %broadcast_in_dim3A_477] : memref<128x64xf32, #tpu.memory_space<vmem>>[vector<16xi32>, vector<16xi32>], vector<16xf32>,
        %mul3A_481 = arith.mulf %gather3A_478, %gather3A_479 : vector<16xf32>
        %add3A_482 = arith.addf %add3A_473, %mul3A_481 : vector<16xf32>
        %mul3A_483 = arith.mulf %gather3A_478, %gather3A_480 : vector<16xf32>
        %add3A_484 = arith.addf %add3A_475, %mul3A_483 : vector<16xf32>
        %broadcast_in_dim3A_485 = arith.constant 47 : i32
        %broadcast_in_dim3A_486 = vector.broadcast %broadcast_in_dim3A_485 : i32 to vector<16xi32>
        %gather3A_487 = tpu.vector_load_idx %arg8[%add3A_59, %broadcast_in_dim3A_486] : memref<128x64xf32, #tpu.memory_space<vmem>>[vector<16xi32>, vector<16xi32>], vector<16xf32>,
        %gather3A_488 = tpu.vector_load_idx %arg9[%add3A_59, %broadcast_in_dim3A_486] : memref<128x64xf32, #tpu.memory_space<vmem>>[vector<16xi32>, vector<16xi32>], vector<16xf32>,
        %gather3A_489 = tpu.vector_load_idx %arg10[%add3A_59, %broadcast_in_dim3A_486] : memref<128x64xf32, #tpu.memory_space<vmem>>[vector<16xi32>, vector<16xi32>], vector<16xf32>,
        %mul3A_490 = arith.mulf %gather3A_487, %gather3A_488 : vector<16xf32>
        %add3A_491 = arith.addf %add3A_482, %mul3A_490 : vector<16xf32>
        %mul3A_492 = arith.mulf %gather3A_487, %gather3A_489 : vector<16xf32>
        %add3A_493 = arith.addf %add3A_484, %mul3A_492 : vector<16xf32>
        %broadcast_in_dim3A_494 = arith.constant 48 : i32
        %broadcast_in_dim3A_495 = vector.broadcast %broadcast_in_dim3A_494 : i32 to vector<16xi32>
        %gather3A_496 = tpu.vector_load_idx %arg8[%add3A_59, %broadcast_in_dim3A_495] : memref<128x64xf32, #tpu.memory_space<vmem>>[vector<16xi32>, vector<16xi32>], vector<16xf32>,
        %gather3A_497 = tpu.vector_load_idx %arg9[%add3A_59, %broadcast_in_dim3A_495] : memref<128x64xf32, #tpu.memory_space<vmem>>[vector<16xi32>, vector<16xi32>], vector<16xf32>,
        %gather3A_498 = tpu.vector_load_idx %arg10[%add3A_59, %broadcast_in_dim3A_495] : memref<128x64xf32, #tpu.memory_space<vmem>>[vector<16xi32>, vector<16xi32>], vector<16xf32>,
        %mul3A_499 = arith.mulf %gather3A_496, %gather3A_497 : vector<16xf32>
        %add3A_500 = arith.addf %add3A_491, %mul3A_499 : vector<16xf32>
        %mul3A_501 = arith.mulf %gather3A_496, %gather3A_498 : vector<16xf32>
        %add3A_502 = arith.addf %add3A_493, %mul3A_501 : vector<16xf32>
        %broadcast_in_dim3A_503 = arith.constant 49 : i32
        %broadcast_in_dim3A_504 = vector.broadcast %broadcast_in_dim3A_503 : i32 to vector<16xi32>
        %gather3A_505 = tpu.vector_load_idx %arg8[%add3A_59, %broadcast_in_dim3A_504] : memref<128x64xf32, #tpu.memory_space<vmem>>[vector<16xi32>, vector<16xi32>], vector<16xf32>,
        %gather3A_506 = tpu.vector_load_idx %arg9[%add3A_59, %broadcast_in_dim3A_504] : memref<128x64xf32, #tpu.memory_space<vmem>>[vector<16xi32>, vector<16xi32>], vector<16xf32>,
        %gather3A_507 = tpu.vector_load_idx %arg10[%add3A_59, %broadcast_in_dim3A_504] : memref<128x64xf32, #tpu.memory_space<vmem>>[vector<16xi32>, vector<16xi32>], vector<16xf32>,
        %mul3A_508 = arith.mulf %gather3A_505, %gather3A_506 : vector<16xf32>
        %add3A_509 = arith.addf %add3A_500, %mul3A_508 : vector<16xf32>
        %mul3A_510 = arith.mulf %gather3A_505, %gather3A_507 : vector<16xf32>
        %add3A_511 = arith.addf %add3A_502, %mul3A_510 : vector<16xf32>
        %broadcast_in_dim3A_512 = arith.constant 50 : i32
        %broadcast_in_dim3A_513 = vector.broadcast %broadcast_in_dim3A_512 : i32 to vector<16xi32>
        %gather3A_514 = tpu.vector_load_idx %arg8[%add3A_59, %broadcast_in_dim3A_513] : memref<128x64xf32, #tpu.memory_space<vmem>>[vector<16xi32>, vector<16xi32>], vector<16xf32>,
        %gather3A_515 = tpu.vector_load_idx %arg9[%add3A_59, %broadcast_in_dim3A_513] : memref<128x64xf32, #tpu.memory_space<vmem>>[vector<16xi32>, vector<16xi32>], vector<16xf32>,
        %gather3A_516 = tpu.vector_load_idx %arg10[%add3A_59, %broadcast_in_dim3A_513] : memref<128x64xf32, #tpu.memory_space<vmem>>[vector<16xi32>, vector<16xi32>], vector<16xf32>,
        %mul3A_517 = arith.mulf %gather3A_514, %gather3A_515 : vector<16xf32>
        %add3A_518 = arith.addf %add3A_509, %mul3A_517 : vector<16xf32>
        %mul3A_519 = arith.mulf %gather3A_514, %gather3A_516 : vector<16xf32>
        %add3A_520 = arith.addf %add3A_511, %mul3A_519 : vector<16xf32>
        %broadcast_in_dim3A_521 = arith.constant 51 : i32
        %broadcast_in_dim3A_522 = vector.broadcast %broadcast_in_dim3A_521 : i32 to vector<16xi32>
        %gather3A_523 = tpu.vector_load_idx %arg8[%add3A_59, %broadcast_in_dim3A_522] : memref<128x64xf32, #tpu.memory_space<vmem>>[vector<16xi32>, vector<16xi32>], vector<16xf32>,
        %gather3A_524 = tpu.vector_load_idx %arg9[%add3A_59, %broadcast_in_dim3A_522] : memref<128x64xf32, #tpu.memory_space<vmem>>[vector<16xi32>, vector<16xi32>], vector<16xf32>,
        %gather3A_525 = tpu.vector_load_idx %arg10[%add3A_59, %broadcast_in_dim3A_522] : memref<128x64xf32, #tpu.memory_space<vmem>>[vector<16xi32>, vector<16xi32>], vector<16xf32>,
        %mul3A_526 = arith.mulf %gather3A_523, %gather3A_524 : vector<16xf32>
        %add3A_527 = arith.addf %add3A_518, %mul3A_526 : vector<16xf32>
        %mul3A_528 = arith.mulf %gather3A_523, %gather3A_525 : vector<16xf32>
        %add3A_529 = arith.addf %add3A_520, %mul3A_528 : vector<16xf32>
        %broadcast_in_dim3A_530 = arith.constant 52 : i32
        %broadcast_in_dim3A_531 = vector.broadcast %broadcast_in_dim3A_530 : i32 to vector<16xi32>
        %gather3A_532 = tpu.vector_load_idx %arg8[%add3A_59, %broadcast_in_dim3A_531] : memref<128x64xf32, #tpu.memory_space<vmem>>[vector<16xi32>, vector<16xi32>], vector<16xf32>,
        %gather3A_533 = tpu.vector_load_idx %arg9[%add3A_59, %broadcast_in_dim3A_531] : memref<128x64xf32, #tpu.memory_space<vmem>>[vector<16xi32>, vector<16xi32>], vector<16xf32>,
        %gather3A_534 = tpu.vector_load_idx %arg10[%add3A_59, %broadcast_in_dim3A_531] : memref<128x64xf32, #tpu.memory_space<vmem>>[vector<16xi32>, vector<16xi32>], vector<16xf32>,
        %mul3A_535 = arith.mulf %gather3A_532, %gather3A_533 : vector<16xf32>
        %add3A_536 = arith.addf %add3A_527, %mul3A_535 : vector<16xf32>
        %mul3A_537 = arith.mulf %gather3A_532, %gather3A_534 : vector<16xf32>
        %add3A_538 = arith.addf %add3A_529, %mul3A_537 : vector<16xf32>
        %broadcast_in_dim3A_539 = arith.constant 53 : i32
        %broadcast_in_dim3A_540 = vector.broadcast %broadcast_in_dim3A_539 : i32 to vector<16xi32>
        %gather3A_541 = tpu.vector_load_idx %arg8[%add3A_59, %broadcast_in_dim3A_540] : memref<128x64xf32, #tpu.memory_space<vmem>>[vector<16xi32>, vector<16xi32>], vector<16xf32>,
        %gather3A_542 = tpu.vector_load_idx %arg9[%add3A_59, %broadcast_in_dim3A_540] : memref<128x64xf32, #tpu.memory_space<vmem>>[vector<16xi32>, vector<16xi32>], vector<16xf32>,
        %gather3A_543 = tpu.vector_load_idx %arg10[%add3A_59, %broadcast_in_dim3A_540] : memref<128x64xf32, #tpu.memory_space<vmem>>[vector<16xi32>, vector<16xi32>], vector<16xf32>,
        %mul3A_544 = arith.mulf %gather3A_541, %gather3A_542 : vector<16xf32>
        %add3A_545 = arith.addf %add3A_536, %mul3A_544 : vector<16xf32>
        %mul3A_546 = arith.mulf %gather3A_541, %gather3A_543 : vector<16xf32>
        %add3A_547 = arith.addf %add3A_538, %mul3A_546 : vector<16xf32>
        %broadcast_in_dim3A_548 = arith.constant 54 : i32
        %broadcast_in_dim3A_549 = vector.broadcast %broadcast_in_dim3A_548 : i32 to vector<16xi32>
        %gather3A_550 = tpu.vector_load_idx %arg8[%add3A_59, %broadcast_in_dim3A_549] : memref<128x64xf32, #tpu.memory_space<vmem>>[vector<16xi32>, vector<16xi32>], vector<16xf32>,
        %gather3A_551 = tpu.vector_load_idx %arg9[%add3A_59, %broadcast_in_dim3A_549] : memref<128x64xf32, #tpu.memory_space<vmem>>[vector<16xi32>, vector<16xi32>], vector<16xf32>,
        %gather3A_552 = tpu.vector_load_idx %arg10[%add3A_59, %broadcast_in_dim3A_549] : memref<128x64xf32, #tpu.memory_space<vmem>>[vector<16xi32>, vector<16xi32>], vector<16xf32>,
        %mul3A_553 = arith.mulf %gather3A_550, %gather3A_551 : vector<16xf32>
        %add3A_554 = arith.addf %add3A_545, %mul3A_553 : vector<16xf32>
        %mul3A_555 = arith.mulf %gather3A_550, %gather3A_552 : vector<16xf32>
        %add3A_556 = arith.addf %add3A_547, %mul3A_555 : vector<16xf32>
        %broadcast_in_dim3A_557 = arith.constant 55 : i32
        %broadcast_in_dim3A_558 = vector.broadcast %broadcast_in_dim3A_557 : i32 to vector<16xi32>
        %gather3A_559 = tpu.vector_load_idx %arg8[%add3A_59, %broadcast_in_dim3A_558] : memref<128x64xf32, #tpu.memory_space<vmem>>[vector<16xi32>, vector<16xi32>], vector<16xf32>,
        %gather3A_560 = tpu.vector_load_idx %arg9[%add3A_59, %broadcast_in_dim3A_558] : memref<128x64xf32, #tpu.memory_space<vmem>>[vector<16xi32>, vector<16xi32>], vector<16xf32>,
        %gather3A_561 = tpu.vector_load_idx %arg10[%add3A_59, %broadcast_in_dim3A_558] : memref<128x64xf32, #tpu.memory_space<vmem>>[vector<16xi32>, vector<16xi32>], vector<16xf32>,
        %mul3A_562 = arith.mulf %gather3A_559, %gather3A_560 : vector<16xf32>
        %add3A_563 = arith.addf %add3A_554, %mul3A_562 : vector<16xf32>
        %mul3A_564 = arith.mulf %gather3A_559, %gather3A_561 : vector<16xf32>
        %add3A_565 = arith.addf %add3A_556, %mul3A_564 : vector<16xf32>
        %broadcast_in_dim3A_566 = arith.constant 56 : i32
        %broadcast_in_dim3A_567 = vector.broadcast %broadcast_in_dim3A_566 : i32 to vector<16xi32>
        %gather3A_568 = tpu.vector_load_idx %arg8[%add3A_59, %broadcast_in_dim3A_567] : memref<128x64xf32, #tpu.memory_space<vmem>>[vector<16xi32>, vector<16xi32>], vector<16xf32>,
        %gather3A_569 = tpu.vector_load_idx %arg9[%add3A_59, %broadcast_in_dim3A_567] : memref<128x64xf32, #tpu.memory_space<vmem>>[vector<16xi32>, vector<16xi32>], vector<16xf32>,
        %gather3A_570 = tpu.vector_load_idx %arg10[%add3A_59, %broadcast_in_dim3A_567] : memref<128x64xf32, #tpu.memory_space<vmem>>[vector<16xi32>, vector<16xi32>], vector<16xf32>,
        %mul3A_571 = arith.mulf %gather3A_568, %gather3A_569 : vector<16xf32>
        %add3A_572 = arith.addf %add3A_563, %mul3A_571 : vector<16xf32>
        %mul3A_573 = arith.mulf %gather3A_568, %gather3A_570 : vector<16xf32>
        %add3A_574 = arith.addf %add3A_565, %mul3A_573 : vector<16xf32>
        %broadcast_in_dim3A_575 = arith.constant 57 : i32
        %broadcast_in_dim3A_576 = vector.broadcast %broadcast_in_dim3A_575 : i32 to vector<16xi32>
        %gather3A_577 = tpu.vector_load_idx %arg8[%add3A_59, %broadcast_in_dim3A_576] : memref<128x64xf32, #tpu.memory_space<vmem>>[vector<16xi32>, vector<16xi32>], vector<16xf32>,
        %gather3A_578 = tpu.vector_load_idx %arg9[%add3A_59, %broadcast_in_dim3A_576] : memref<128x64xf32, #tpu.memory_space<vmem>>[vector<16xi32>, vector<16xi32>], vector<16xf32>,
        %gather3A_579 = tpu.vector_load_idx %arg10[%add3A_59, %broadcast_in_dim3A_576] : memref<128x64xf32, #tpu.memory_space<vmem>>[vector<16xi32>, vector<16xi32>], vector<16xf32>,
        %mul3A_580 = arith.mulf %gather3A_577, %gather3A_578 : vector<16xf32>
        %add3A_581 = arith.addf %add3A_572, %mul3A_580 : vector<16xf32>
        %mul3A_582 = arith.mulf %gather3A_577, %gather3A_579 : vector<16xf32>
        %add3A_583 = arith.addf %add3A_574, %mul3A_582 : vector<16xf32>
        %broadcast_in_dim3A_584 = arith.constant 58 : i32
        %broadcast_in_dim3A_585 = vector.broadcast %broadcast_in_dim3A_584 : i32 to vector<16xi32>
        %gather3A_586 = tpu.vector_load_idx %arg8[%add3A_59, %broadcast_in_dim3A_585] : memref<128x64xf32, #tpu.memory_space<vmem>>[vector<16xi32>, vector<16xi32>], vector<16xf32>,
        %gather3A_587 = tpu.vector_load_idx %arg9[%add3A_59, %broadcast_in_dim3A_585] : memref<128x64xf32, #tpu.memory_space<vmem>>[vector<16xi32>, vector<16xi32>], vector<16xf32>,
        %gather3A_588 = tpu.vector_load_idx %arg10[%add3A_59, %broadcast_in_dim3A_585] : memref<128x64xf32, #tpu.memory_space<vmem>>[vector<16xi32>, vector<16xi32>], vector<16xf32>,
        %mul3A_589 = arith.mulf %gather3A_586, %gather3A_587 : vector<16xf32>
        %add3A_590 = arith.addf %add3A_581, %mul3A_589 : vector<16xf32>
        %mul3A_591 = arith.mulf %gather3A_586, %gather3A_588 : vector<16xf32>
        %add3A_592 = arith.addf %add3A_583, %mul3A_591 : vector<16xf32>
        %broadcast_in_dim3A_593 = arith.constant 59 : i32
        %broadcast_in_dim3A_594 = vector.broadcast %broadcast_in_dim3A_593 : i32 to vector<16xi32>
        %gather3A_595 = tpu.vector_load_idx %arg8[%add3A_59, %broadcast_in_dim3A_594] : memref<128x64xf32, #tpu.memory_space<vmem>>[vector<16xi32>, vector<16xi32>], vector<16xf32>,
        %gather3A_596 = tpu.vector_load_idx %arg9[%add3A_59, %broadcast_in_dim3A_594] : memref<128x64xf32, #tpu.memory_space<vmem>>[vector<16xi32>, vector<16xi32>], vector<16xf32>,
        %gather3A_597 = tpu.vector_load_idx %arg10[%add3A_59, %broadcast_in_dim3A_594] : memref<128x64xf32, #tpu.memory_space<vmem>>[vector<16xi32>, vector<16xi32>], vector<16xf32>,
        %mul3A_598 = arith.mulf %gather3A_595, %gather3A_596 : vector<16xf32>
        %add3A_599 = arith.addf %add3A_590, %mul3A_598 : vector<16xf32>
        %mul3A_600 = arith.mulf %gather3A_595, %gather3A_597 : vector<16xf32>
        %add3A_601 = arith.addf %add3A_592, %mul3A_600 : vector<16xf32>
        %broadcast_in_dim3A_602 = arith.constant 60 : i32
        %broadcast_in_dim3A_603 = vector.broadcast %broadcast_in_dim3A_602 : i32 to vector<16xi32>
        %gather3A_604 = tpu.vector_load_idx %arg8[%add3A_59, %broadcast_in_dim3A_603] : memref<128x64xf32, #tpu.memory_space<vmem>>[vector<16xi32>, vector<16xi32>], vector<16xf32>,
        %gather3A_605 = tpu.vector_load_idx %arg9[%add3A_59, %broadcast_in_dim3A_603] : memref<128x64xf32, #tpu.memory_space<vmem>>[vector<16xi32>, vector<16xi32>], vector<16xf32>,
        %gather3A_606 = tpu.vector_load_idx %arg10[%add3A_59, %broadcast_in_dim3A_603] : memref<128x64xf32, #tpu.memory_space<vmem>>[vector<16xi32>, vector<16xi32>], vector<16xf32>,
        %mul3A_607 = arith.mulf %gather3A_604, %gather3A_605 : vector<16xf32>
        %add3A_608 = arith.addf %add3A_599, %mul3A_607 : vector<16xf32>
        %mul3A_609 = arith.mulf %gather3A_604, %gather3A_606 : vector<16xf32>
        %add3A_610 = arith.addf %add3A_601, %mul3A_609 : vector<16xf32>
        %broadcast_in_dim3A_611 = arith.constant 61 : i32
        %broadcast_in_dim3A_612 = vector.broadcast %broadcast_in_dim3A_611 : i32 to vector<16xi32>
        %gather3A_613 = tpu.vector_load_idx %arg8[%add3A_59, %broadcast_in_dim3A_612] : memref<128x64xf32, #tpu.memory_space<vmem>>[vector<16xi32>, vector<16xi32>], vector<16xf32>,
        %gather3A_614 = tpu.vector_load_idx %arg9[%add3A_59, %broadcast_in_dim3A_612] : memref<128x64xf32, #tpu.memory_space<vmem>>[vector<16xi32>, vector<16xi32>], vector<16xf32>,
        %gather3A_615 = tpu.vector_load_idx %arg10[%add3A_59, %broadcast_in_dim3A_612] : memref<128x64xf32, #tpu.memory_space<vmem>>[vector<16xi32>, vector<16xi32>], vector<16xf32>,
        %mul3A_616 = arith.mulf %gather3A_613, %gather3A_614 : vector<16xf32>
        %add3A_617 = arith.addf %add3A_608, %mul3A_616 : vector<16xf32>
        %mul3A_618 = arith.mulf %gather3A_613, %gather3A_615 : vector<16xf32>
        %add3A_619 = arith.addf %add3A_610, %mul3A_618 : vector<16xf32>
        %broadcast_in_dim3A_620 = arith.constant 62 : i32
        %broadcast_in_dim3A_621 = vector.broadcast %broadcast_in_dim3A_620 : i32 to vector<16xi32>
        %gather3A_622 = tpu.vector_load_idx %arg8[%add3A_59, %broadcast_in_dim3A_621] : memref<128x64xf32, #tpu.memory_space<vmem>>[vector<16xi32>, vector<16xi32>], vector<16xf32>,
        %gather3A_623 = tpu.vector_load_idx %arg9[%add3A_59, %broadcast_in_dim3A_621] : memref<128x64xf32, #tpu.memory_space<vmem>>[vector<16xi32>, vector<16xi32>], vector<16xf32>,
        %gather3A_624 = tpu.vector_load_idx %arg10[%add3A_59, %broadcast_in_dim3A_621] : memref<128x64xf32, #tpu.memory_space<vmem>>[vector<16xi32>, vector<16xi32>], vector<16xf32>,
        %mul3A_625 = arith.mulf %gather3A_622, %gather3A_623 : vector<16xf32>
        %add3A_626 = arith.addf %add3A_617, %mul3A_625 : vector<16xf32>
        %mul3A_627 = arith.mulf %gather3A_622, %gather3A_624 : vector<16xf32>
        %add3A_628 = arith.addf %add3A_619, %mul3A_627 : vector<16xf32>
        %broadcast_in_dim3A_629 = arith.constant 63 : i32
        %broadcast_in_dim3A_630 = vector.broadcast %broadcast_in_dim3A_629 : i32 to vector<16xi32>
        %gather3A_631 = tpu.vector_load_idx %arg8[%add3A_59, %broadcast_in_dim3A_630] : memref<128x64xf32, #tpu.memory_space<vmem>>[vector<16xi32>, vector<16xi32>], vector<16xf32>,
        %gather3A_632 = tpu.vector_load_idx %arg9[%add3A_59, %broadcast_in_dim3A_630] : memref<128x64xf32, #tpu.memory_space<vmem>>[vector<16xi32>, vector<16xi32>], vector<16xf32>,
        %gather3A_633 = tpu.vector_load_idx %arg10[%add3A_59, %broadcast_in_dim3A_630] : memref<128x64xf32, #tpu.memory_space<vmem>>[vector<16xi32>, vector<16xi32>], vector<16xf32>,
        %mul3A_634 = arith.mulf %gather3A_631, %gather3A_632 : vector<16xf32>
        %add3A_635 = arith.addf %add3A_626, %mul3A_634 : vector<16xf32>
        %mul3A_636 = arith.mulf %gather3A_631, %gather3A_633 : vector<16xf32>
        %add3A_637 = arith.addf %add3A_628, %mul3A_636 : vector<16xf32>
        %mul3A_638 = arith.constant 128 : i32
        %mul3A_639 = arith.muli %scan3A_8, %mul3A_638 : i32
        %mul3A_640 = arith.constant 16 : i32
        %mul3A_641 = arith.muli %scan3A_55, %mul3A_640 : i32
        %add3A_642 = arith.addi %mul3A_639, %mul3A_641 : i32
        %swap3A = arith.index_cast %add3A_642 : i32 to index
        %swap3A_643 = tpu.vector_load %arg11[%swap3A] {strides = array<i32>} : memref<512xf32, #tpu.memory_space<vmem>>, vector<16xf32>,
        tpu.vector_store %arg11[%swap3A], %add3A_635 {strides = array<i32>} : memref<512xf32, #tpu.memory_space<vmem>>, vector<16xf32>,
        %swap3A_644 = arith.index_cast %add3A_642 : i32 to index
        %swap3A_645 = tpu.vector_load %arg12[%swap3A_644] {strides = array<i32>} : memref<512xf32, #tpu.memory_space<vmem>>, vector<16xf32>,
        tpu.vector_store %arg12[%swap3A_644], %add3A_637 {strides = array<i32>} : memref<512xf32, #tpu.memory_space<vmem>>, vector<16xf32>,
      }
      %scan3A_54 = arith.constant 8 : i32
    }
    %scan3A_7 = arith.constant 4 : i32
    "tpu.region"() ({
      %run_scoped3A = tpu.sem_alloc : memref<!tpu.dma_semaphore, #tpu.memory_space<semaphore_mem>>
      %dma_start3A = tpu.memref_slice %arg5[%mul3A_2] : memref<16384xf32, #tpu.memory_space<hbm>> -> memref<512xf32, #tpu.memory_space<hbm>>
      %dma_start3A_8 = tpu.memref_slice %arg5[%mul3A_2] : memref<16384xf32, #tpu.memory_space<hbm>> -> memref<512xf32, #tpu.memory_space<hbm>>
      tpu.enqueue_dma source(%arg11 : memref<512xf32, #tpu.memory_space<vmem>>) target(%dma_start3A_8 : memref<512xf32, #tpu.memory_space<hbm>>) target_semaphore(%run_scoped3A : memref<!tpu.dma_semaphore, #tpu.memory_space<semaphore_mem>>)
      %dma_wait3A = tpu.memref_slice %arg5[%mul3A_2] : memref<16384xf32, #tpu.memory_space<hbm>> -> memref<512xf32, #tpu.memory_space<hbm>>
      %dma_wait3A_9 = tpu.memref_slice %arg5[%mul3A_2] : memref<16384xf32, #tpu.memory_space<hbm>> -> memref<512xf32, #tpu.memory_space<hbm>>
      tpu.wait_dma2 semaphore(%run_scoped3A : memref<!tpu.dma_semaphore, #tpu.memory_space<semaphore_mem>>) src(%arg11 : memref<512xf32, #tpu.memory_space<vmem>>) dst(%dma_wait3A_9 : memref<512xf32, #tpu.memory_space<hbm>>)
      tpu.yield
    }) : () -> ()
    "tpu.region"() ({
      %run_scoped3A = tpu.sem_alloc : memref<!tpu.dma_semaphore, #tpu.memory_space<semaphore_mem>>
      %dma_start3A = tpu.memref_slice %arg6[%mul3A_2] : memref<16384xf32, #tpu.memory_space<hbm>> -> memref<512xf32, #tpu.memory_space<hbm>>
      %dma_start3A_8 = tpu.memref_slice %arg6[%mul3A_2] : memref<16384xf32, #tpu.memory_space<hbm>> -> memref<512xf32, #tpu.memory_space<hbm>>
      tpu.enqueue_dma source(%arg12 : memref<512xf32, #tpu.memory_space<vmem>>) target(%dma_start3A_8 : memref<512xf32, #tpu.memory_space<hbm>>) target_semaphore(%run_scoped3A : memref<!tpu.dma_semaphore, #tpu.memory_space<semaphore_mem>>)
      %dma_wait3A = tpu.memref_slice %arg6[%mul3A_2] : memref<16384xf32, #tpu.memory_space<hbm>> -> memref<512xf32, #tpu.memory_space<hbm>>
      %dma_wait3A_9 = tpu.memref_slice %arg6[%mul3A_2] : memref<16384xf32, #tpu.memory_space<hbm>> -> memref<512xf32, #tpu.memory_space<hbm>>
      tpu.wait_dma2 semaphore(%run_scoped3A : memref<!tpu.dma_semaphore, #tpu.memory_space<semaphore_mem>>) src(%arg12 : memref<512xf32, #tpu.memory_space<vmem>>) dst(%dma_wait3A_9 : memref<512xf32, #tpu.memory_space<hbm>>)
      tpu.yield
    }) : () -> ()
    return
  }
}

module attributes {stable_mosaic.version = 14 : i64} {
  func.func @_loss_body(%arg0: memref<128x128xf32, #tpu.memory_space<vmem>>, %arg1: memref<128x128xf32, #tpu.memory_space<vmem>>, %arg2: memref<1x1xf32, #tpu.memory_space<smem>>) attributes {dimension_semantics = [], scalar_prefetch = 0 : i64, scratch_operands = 0 : i64, tpu.core_type = #tpu.core_type<tc>} {
    %get3A = arith.constant 0 : index
    %get3A_0 = arith.constant 0 : index
    %get3A_1 = vector.load %arg0[%get3A, %get3A_0] : memref<128x128xf32, #tpu.memory_space<vmem>>, vector<128x128xf32>
    %logistic3A = arith.negf %get3A_1 : vector<128x128xf32>
    %logistic3A_2 = math.exp %logistic3A : vector<128x128xf32>
    %logistic3A_3 = arith.constant 1.000000e+00 : f32
    %logistic3A_4 = vector.broadcast %logistic3A_3 : f32 to vector<128x128xf32>
    %logistic3A_5 = arith.addf %logistic3A_4, %logistic3A_2 : vector<128x128xf32>
    %logistic3A_6 = arith.divf %logistic3A_4, %logistic3A_5 : vector<128x128xf32>
    %get3A_7 = arith.constant 0 : index
    %get3A_8 = arith.constant 0 : index
    %get3A_9 = vector.load %arg1[%get3A_7, %get3A_8] : memref<128x128xf32, #tpu.memory_space<vmem>>, vector<128x128xf32>
    %logistic3A_10 = arith.negf %get3A_9 : vector<128x128xf32>
    %logistic3A_11 = math.exp %logistic3A_10 : vector<128x128xf32>
    %logistic3A_12 = arith.constant 1.000000e+00 : f32
    %logistic3A_13 = vector.broadcast %logistic3A_12 : f32 to vector<128x128xf32>
    %logistic3A_14 = arith.addf %logistic3A_13, %logistic3A_11 : vector<128x128xf32>
    %logistic3A_15 = arith.divf %logistic3A_13, %logistic3A_14 : vector<128x128xf32>
    %sub3A = arith.subf %logistic3A_6, %logistic3A_15 : vector<128x128xf32>
    %neg3A = arith.constant 0.000000e+00 : f32
    %neg3A_16 = vector.broadcast %neg3A : f32 to vector<128x128xf32>
    %neg3A_17 = arith.subf %neg3A_16, %sub3A : vector<128x128xf32>
    %custom_jvp_call3A = arith.constant 0.000000e+00 : f32
    %max3A = vector.broadcast %custom_jvp_call3A : f32 to vector<128x128xf32>
    %max3A_18 = arith.maximumf %neg3A_17, %max3A : vector<128x128xf32>
    %sub3A_19 = vector.broadcast %custom_jvp_call3A : f32 to vector<128x128xf32>
    %sub3A_20 = arith.subf %neg3A_17, %sub3A_19 : vector<128x128xf32>
    %ne3A = arith.cmpf one, %sub3A_20, %sub3A_20 : vector<128x128xf32>
    %add3A = vector.broadcast %custom_jvp_call3A : f32 to vector<128x128xf32>
    %add3A_21 = arith.addf %neg3A_17, %add3A : vector<128x128xf32>
    %abs3A = math.absf %sub3A_20 : vector<128x128xf32>
    %neg3A_22 = arith.constant 0.000000e+00 : f32
    %neg3A_23 = vector.broadcast %neg3A_22 : f32 to vector<128x128xf32>
    %neg3A_24 = arith.subf %neg3A_23, %abs3A : vector<128x128xf32>
    %exp3A = math.exp %neg3A_24 : vector<128x128xf32>
    %log1p3A = math.log1p %exp3A : vector<128x128xf32>
    %add3A_25 = arith.addf %max3A_18, %log1p3A : vector<128x128xf32>
    %select_n3A = arith.select %ne3A, %add3A_21, %add3A_25 : vector<128x128xi1>, vector<128x128xf32>
    %neg3A_26 = arith.constant 0.000000e+00 : f32
    %neg3A_27 = vector.broadcast %neg3A_26 : f32 to vector<128x128xf32>
    %neg3A_28 = arith.subf %neg3A_27, %select_n3A : vector<128x128xf32>
    %neg3A_29 = arith.constant 0.000000e+00 : f32
    %neg3A_30 = vector.broadcast %neg3A_29 : f32 to vector<128x128xf32>
    %neg3A_31 = arith.subf %neg3A_30, %neg3A_28 : vector<128x128xf32>
    %reduce_sum3A = vector.shape_cast %neg3A_31 : vector<128x128xf32> to vector<1x128x128xf32>
    %reduce_sum3A_32 = arith.constant dense<0.000000e+00> : vector<1xf32>
    %reduce_sum3A_33 = vector.multi_reduction <add>, %reduce_sum3A, %reduce_sum3A_32 [1, 2] : vector<1x128x128xf32> to vector<1xf32>
    %reduce_sum3A_34 = vector.shape_cast %reduce_sum3A_33 : vector<1xf32> to vector<1x1x1xf32>
    %reduce_sum3A_35 = vector.extract %reduce_sum3A_34[0, 0, 0] : f32 from vector<1x1x1xf32>
    %mul3A = arith.constant 6.10351563E-5 : f32
    %mul3A_36 = arith.mulf %reduce_sum3A_35, %mul3A : f32
    %swap3A = arith.constant 0 : index
    %swap3A_37 = arith.constant 0 : index
    %swap3A_38 = memref.load %arg2[%swap3A, %swap3A_37] : memref<1x1xf32, #tpu.memory_space<smem>>
    memref.store %mul3A_36, %arg2[%swap3A, %swap3A_37] : memref<1x1xf32, #tpu.memory_space<smem>>
    return
  }
}

</mosaic_0001>

<sc_bundles>
// kernel: kernel.4.cloned.1.call-start
scs
__scs_entry_jumppad:
0x0: {  	(pc) =	sbr.rel $0x88, $3  }
0x1: {  	(tag) =	ssettag $0x0;
	lr =	simm.s32 $0x1  }
0x2: {  	[smem:$0x3F9C] =	sst lr;
	_ =	strace $0xD0000000  }
0x3: {  	_ = 	snop  }
0x4: {  	_ = 	snop  }
0x5: {  	_ = 	snop  }
0x6: {  	_ = 	snop  }
0x7: {  	_ = 	snop  }
__scs_overlays_trampoline_lowered:
0x8: {  	[smem:$0x3FAB] =	sst s0  }
0x9: {  	[smem:$0x3FAC] =	sst s1  }
0xa: {  	[smem:$0x3FAD] =	sst s2  }
0xb: {  	[smem:$0x3FAE] =	sst s3  }
0xc: {  	[smem:$0x3FAF] =	sst s4  }
0xd: {  	[smem:$0x3FB0] =	sst s5  }
0xe: {  	[smem:$0x3FB1] =	sst s6  }
0xf: {  	[smem:$0x3FB2] =	sst s7  }
0x10: {  	[smem:$0x3FB3] =	sst s8  }
0x11: {  	[smem:$0x3FB4] =	sst s9;
	s0 =	simm.s32 @!p0 $0x0  }
0x12: {  	s1 =	sld [smem:$0x3F9A];
	s0 =	simm.s32 @p0 $0x1  }
0x13: {  	[smem:$0x3FB5] =	sst s0;
	s0 =	simm.s32 @!p1 $0x0  }
0x14: {  	s2 =	sld [smem:$0x3F99];
	s0 =	simm.s32 @p1 $0x1  }
0x15: {  	[smem:$0x3FB6] =	sst s0;
	s0 =	simm.s32 @!p2 $0x0  }
0x16: {  	s3 =	sld [smem:$0x3FDB];
	s0 =	simm.s32 @p2 $0x1  }
0x17: {  	s4 =	simm.s32 $0x1BF5;
	[smem:$0x3FB8] =	sst s0  }
0x18: {  	s0 =	sld [smem:$0x3F9B];
	_ =	swait.ge [sflag:s4], $0x0  }
0x19: {  	s7 =	sld [smem:$0x3F9C]  }
0x1a: {  	s8 =	sadd.s32 $0xFFFFE003, lr  }
0x1b: {  	s9 =	sadd.s32 $0xFFFFFEF7, lr;
	s5 =	simm.s32 $0xFFFFFFFF;
	p2 =	slt.u32 s8, $0xFFFFF086  }
0x1c: {  	p1 =	slt.u32 s9, $0xF7A;
	s5 =	simm.s32 @!p2 $0x0  }
0x1d: {  	s5 =	simm.s32 @p1 $0x1;
	p0 =	seq.s32 s7, s2  }
0x1e: {  	s7 =	smul.u32 @!p0 $0xF7A, s2;
	p2 =	seq.s32 @!p0 s5, $0x0  }
0x1f: {  	s9 =	smul.u32 $0xF7A, s1;
	s8 =	simm.s32 @!p0 $0x1BF5;
	p2 =	por !p2, p0  }
0x20: {  	[sflag:s8] =	ssyncset.s32 @!p0 $0xFFFFF086;
	s6 =	sadd.s32 @!p0 s3, s7;
	s7 =	simm.s32 @!p0 $0x108  }
0x21: {  	s3 =	sadd.s32 s3, s9;
	s6 =	sadd.s32 @!p0 $0x88, s6;
	s7 =	simm.s32 @p2 $0x1082  }
0x22: {  	[simem:s7], [sflag:s8] =	dma.local @!p0 [hbm:s6], $0xF7A  }
0x23: {  	s9 =	sor.u32 $0xD0000000, s2;
	s6 =	simm.s32 $0x108;
	_ =	swait.ge @!p0 [sflag:s8], $0x0  }
0x24: {  	s3 =	sadd.s32 $0x88, s3;
	s6 =	simm.s32 @!p1 $0x1082;
	[sflag:s4] =	ssyncset.s32 $0xFFFFF086  }
0x25: {  	[simem:s6], [sflag:s4] =	dma.local [hbm:s3], $0xF7A  }
0x26: {  	[smem:$0x3F9C] =	sst s1;
	(tag) =	ssettag s2;
	_ =	strace s9  }
0x27: {  	s1 =	sld [smem:$0x3FAC]  }
0x28: {  	s2 =	sld [smem:$0x3FAD]  }
0x29: {  	s4 =	sld [smem:$0x3FAF]  }
0x2a: {  	p0 =	seq.s32 s5, $0x0;
	s5 =	sld [smem:$0x3FB0]  }
0x2b: {  	s6 =	sld [smem:$0x3FB1]  }
0x2c: {  	s7 =	sld [smem:$0x3FB2]  }
0x2d: {  	s3 =	simm.s32 $0x108;
	s8 =	sld [smem:$0x3FB3]  }
0x2e: {  	s3 =	simm.s32 @!p0 $0x1082;
	s9 =	sld [smem:$0x3FB4]  }
0x2f: {  	lr =	sadd.s32 s0, s3;
	s0 =	sld [smem:$0x3FAB]  }
0x30: {  	s3 =	sld [smem:$0x3FAE]  }
0x31: {  	[smem:$0x3FB7] =	sst s10  }
0x32: {  	s10 =	sld [smem:$0x3FB5];
	_ =	sdelay $0x3  }
0x33: {  	p0 =	seq.s32 s10, $0x1;
	s10 =	sld [smem:$0x3FB7];
	_ =	sdelay $0x3  }
0x34: {  	[smem:$0x3FB7] =	sst s10  }
0x35: {  	s10 =	sld [smem:$0x3FB6];
	_ =	sdelay $0x3  }
0x36: {  	p1 =	seq.s32 s10, $0x1;
	s10 =	sld [smem:$0x3FB7];
	_ =	sdelay $0x3  }
0x37: {  	[smem:$0x3FB7] =	sst s10  }
0x38: {  	s10 =	sld [smem:$0x3FB8]  }
0x39: {  	_ = 	snop;
	(pc) =	sbr.ind lr, $3  }
0x3a: {  	_ = 	snop  }
0x3b: {  	_ = 	snop  }
0x3c: {  	p2 =	seq.s32 s10, $0x1;
	s10 =	sld [smem:$0x3FB7]  }
0x3d: {  	_ =	shalt  }
0x3e: {  	_ =	shalt  }
0x3f: {  	_ =	shalt  }
0x40: {  	_ =	shalt  }
0x41: {  	_ =	shalt  }
0x42: {  	_ =	shalt  }
0x43: {  	_ =	shalt  }
0x44: {  	_ =	shalt  }
0x45: {  	_ =	shalt  }
0x46: {  	_ =	shalt  }
0x47: {  	_ =	shalt  }
0x48: {  	_ =	shalt  }
0x49: {  	_ =	shalt  }
0x4a: {  	_ =	shalt  }
0x4b: {  	_ =	shalt  }
0x4c: {  	_ =	shalt  }
0x4d: {  	_ =	shalt  }
0x4e: {  	_ =	shalt  }
0x4f: {  	_ =	shalt  }
0x50: {  	_ =	shalt  }
0x51: {  	_ =	shalt  }
0x52: {  	_ =	shalt  }
0x53: {  	_ =	shalt  }
0x54: {  	_ =	shalt  }
0x55: {  	_ =	shalt  }
0x56: {  	_ =	shalt  }
0x57: {  	_ =	shalt  }
0x58: {  	_ =	shalt  }
0x59: {  	_ =	shalt  }
0x5a: {  	_ =	shalt  }
0x5b: {  	_ =	shalt  }
0x5c: {  	_ =	shalt  }
0x5d: {  	_ =	shalt  }
0x5e: {  	_ =	shalt  }
0x5f: {  	_ =	shalt  }
0x60: {  	_ =	shalt  }
0x61: {  	_ =	shalt  }
0x62: {  	_ =	shalt  }
0x63: {  	_ =	shalt  }
0x64: {  	_ =	shalt  }
0x65: {  	_ =	shalt  }
0x66: {  	_ =	shalt  }
0x67: {  	_ =	shalt  }
0x68: {  	_ =	shalt  }
0x69: {  	_ =	shalt  }
0x6a: {  	_ =	shalt  }
0x6b: {  	_ =	shalt  }
0x6c: {  	_ =	shalt  }
0x6d: {  	_ =	shalt  }
0x6e: {  	_ =	shalt  }
0x6f: {  	_ =	shalt  }
0x70: {  	_ =	shalt  }
0x71: {  	_ =	shalt  }
0x72: {  	_ =	shalt  }
0x73: {  	_ =	shalt  }
0x74: {  	_ =	shalt  }
0x75: {  	_ =	shalt  }
0x76: {  	_ =	shalt  }
0x77: {  	_ =	shalt  }
0x78: {  	_ =	shalt  }
0x79: {  	_ =	shalt  }
0x7a: {  	_ =	shalt  }
0x7b: {  	_ =	shalt  }
0x7c: {  	_ =	shalt  }
0x7d: {  	_ =	shalt  }
0x7e: {  	_ =	shalt  }
0x7f: {  	_ =	shalt  }
0x80: {  	_ =	shalt  }
0x81: {  	_ =	shalt  }
0x82: {  	_ =	shalt  }
0x83: {  	_ =	shalt  }
0x84: {  	_ =	shalt  }
0x85: {  	_ =	shalt  }
0x86: {  	_ =	shalt  }
0x87: {  	_ =	shalt  }
.Lfunc_end0:
.L_simem_size_0:
called_computation_lowered:
.L_overlay_start_0:
0x88: {  	s2 =	sld [smem:$0x3FD9]  }
0x89: {  	s3 =	sld [smem:$0x3FFE];
	_ =	sdelay $0x1  }
0x8a: {  	s1 =	srdreg.scid  }
0x8b: {  	s0 =	sand.u32 $0x1, s1  }
0x8c: {  	s16 =	sshll.u32 s0, $0xA;
	s2 =	sadd.s32 s3, s2  }
0x8d: {  	s2 =	sadd.s32 s2, s16  }
0x8e: {  	[smem:$0x3FC3] =	sst s2  }
0x8f: {  	_ = 	snop  }
0x90: {  	(tm) =	ssettm $0x1  }
0x91: {  	s17 =	sld [smem:$0x3FFB];
	_ =	sdelay $0x3  }
0x92: {  	_ =	strace s17  }
0x93: {  	s2 =	sld [smem:$0x3FFC];
	_ =	sdelay $0x3  }
0x94: {  	_ =	strace s2  }
0x95: {  	s2 =	sld [smem:$0x3FFD];
	_ =	sdelay $0x3  }
0x96: {  	_ =	strace s2  }
0x97: {  	_ =	strace $0x8FFFFFFF  }
0x98: {  	s18 =	sld [smem:$0x3FDB];
	_ =	sdelay $0x1  }
0x99: {  	s19 =	simm.s32 $_scs_section_size  }
0x9a: {  	s4 =	simm.s32 $_size__tile_overlayer_lowered;
	s5 =	simm.s32 $_tile_overlayer_lowered  }
0x9b: {  	s22 =	simm.s32 $0x1BFF;
	s21 =	sshll.u32 s5, $0x1;
	s2 =	sadd.s32 s19, s18  }
0x9c: {  	s6 =	simm.s32 $0x0;
	s20 =	sshll.u32 s4, $0x1;
	s4 =	sadd.s32 s21, s2  }
0x9d: {  	[timem:s6], [sflag:s22] =	dma.local [hbm:s4], s20  }
0x9e: {  	_ =	swait.ge [sflag:s22], s20  }
0x9f: {  	s3 =	ssub.s32 $0x0, s20;
	[sflag:s22] =	ssyncset.done $0x0  }
0xa0: {  	[sflag:s22] =	ssyncadd.s32 s3;
	_ =	sdelay $0x1  }
0xa1: {  	s23 =	simm.s32 $0x1B8B  }
0xa2: {  	_ =	swait.ge [sflag:s23], $0x1  }
0xa3: {  	[sflag:s23] =	ssyncset.done $0x0  }
0xa4: {  	s25 =	simm.s32 $0x1B8E;
	s24 =	sld [smem:$0x3FFE];
	[sflag:s23] =	ssyncadd.s32 $0xFFFFFFFF  }
0xa5: {  	s26 =	simm.s32 $execute0_lowered;
	[smem:$0x3FD2] =	sst s25  }
0xa6: {  	s4 =	sshll.u32 s26, $0x1;
	_ =	strace $0x80000046;
	[dreg:$0x1] =	wrdreg $0xFFFFFFFF  }
0xa7: {  	s28 =	simm.s32 $_size_execute0_lowered;
	s2 =	sadd.s32 s2, s4;
	[dreg:$0x0] =	wrdreg $0x0  }
0xa8: {  	s4 =	sshll.u32 s28, $0x1;
	[dreg:$0x2] =	wrdreg s2  }
0xa9: {  	[dreg:$0x3] =	wrdreg s4  }
0xaa: {  	[dreg:$0x4] =	wrdreg $0xC0  }
0xab: {  	_ =	task [dreg:s6], $0x5FFFF  }
0xac: {  	[dreg:$0x1] =	wrdreg $0xFFFFFFFF  }
0xad: {  	[dreg:$0x0] =	wrdreg $0x60  }
0xae: {  	[dreg:$0x2] =	wrdreg s24  }
0xaf: {  	[dreg:$0x3] =	wrdreg $0x9  }
0xb0: {  	_ =	task.clear_ibuf [dreg:s6], $0x4FFFF;
	_ =	strace $0x90000046  }
0xb1: {  	s29 =	simm.s32 $0x9;
	_ =	strace $0x80000048  }
0xb2: {  	_ =	swait.ge [sflag:s29], $0x1  }
0xb3: {  	[sflag:s29] =	ssyncadd.s32 $0xFFFFFFFF  }
0xb4: {  	_ =	strace $0x90000048  }
0xb5: {  	_ =	sfence  }
0xb6: {  	s30 =	sld [smem:$0x0];
	_ =	sdelay $0x2  }
0xb7: {  	s31 =	sshll.u32 s1, $0xD;
	s1 =	sshrl.u32 s1, $0x2  }
0xb8: {  	s3 =	sand.u32 $0x4000, s31;
	s1 =	sadd.s32 s1, s30  }
0xb9: {  	s0 =	sor.u32 s3, s0;
	s1 =	sshll.u32 s1, $0x11  }
0xba: {  	s0 =	sor.u32 s1, s0  }
0xbb: {  	s0 =	sadd.s32 $0x8F2B, s0  }
0xbc: {  	[sflag:s0] =	ssyncadd.remote.s32 $0x1  }
0xbd: {  	_ =	sfence.sel $0xFFFF  }
0xbe: {  	[dreg:$0x0] =	wrdreg $0xFFFFFFFF;
	(pc) =	sbr.abs _section_cstart, $3  }
0xbf: {  	[dreg:$0x1] =	wrdreg $0xFFFFFFFF  }
0xc0: {  	_ =	task.clear_ibuf [dreg:s6], $0x2FFFF;
	_ =	strace $0x9FFFFFFF  }
0xc1: {  	(tm) =	ssettm $0x7FFFFFFF  }
tec
execute0_lowered:
.L_overlay_start_1:
0x0: {  	(tag) =	ssettag $0x1  }
0x1: {  	s1 =	srdreg.scid;
	s0 =	stileid.u32  }
0x2: {  	s5 =	rddreg [dreg:$0x0];
	s2 =	simm.s32 $0x0;
	s11 =	simm.s32 $0x600  }
0x3: {  	s12 =	simm.s32 $0x2600;
	s13 =	simm.s32 $0x4600;
	s14 =	simm.s32 $0x1  }
0x4: {  	s15 =	simm.s32 $0x6600;
	s16 =	simm.s32 $0x6800;
	s17 =	simm.s32 $0x0  }
0x5: {  	s4 =	sand.u32 $0x1, s1;
	s3 =	sshll.u32 s0, $0x1;
	[smem:$0x7FF] =	sst s2  }
0x6: {  	s1 =	rddreg [dreg:$0x1];
	s6 =	sor.u32 s4, s3;
	_ =	strace $0x80000047  }
0x7: {  	s8 =	ssub.s32 $0x2, s4;
	s3 =	smul.u32 $0xC0, s6;
	s6 =	sshll.u32 s6, $0x6  }
0x8: {  	v0 =	vlaneseq.u32;
	s4 =	sadd.s32 $0xF43600, s5;
	s9 =	sshrl.u32 s8, $0x1;
	s10 =	sadd.s32 s6, s5  }
0x9: {  	v56 =	vmul.u32 $0x40, v0;
	s8 =	ssub.s32 s8, s9;
	s9 =	simm.s32 $0x2;
	s7 =	sadd.s32 s3, s5  }
0xa: {  	s3 =	sadd.s32 $0x16E4800, s5;
	s6 =	sadd.s32 $0x2A00, s10;
	s8 =	smax.u32 s8, $0x1  }
0xb: {  	[tilespmem:$0x1FFF0] =	vst v56;
	s5 =	sadd.s32 $0x1200, s7;
	s7 =	sadd.s32 $0x3200, s10;
	s10 =	simm.s32 $0x80  }
.LBB2_1:
0xc: {  	[tilespmem:s2], [sflag:$0x2] =	stream.linear.gather [hbm4b:s5+s2], $0x600, $0x38;
	[tilespmem:$0x6A00] =	vst v63  }
0xd: {  	_ =	swait.ge [sflag:s9], $0x600  }
0xe: {  	s18 =	simm.s32 $0x6600;
	[sflag:s9] =	ssyncset.done $0x0  }
0xf: {  	s19 =	simm.s32 $0x6800;
	s20 =	simm.s32 $0x0;
	[sflag:s9] =	ssyncadd.s32 $0xFFFFFA00  }
.LBB2_2:
0x10: {  	s21 =	sshll.u32 s20, $0x7  }
0x11: {  	[tilespmem:s11], [sflag:$0x1] =	stream.indirect.gather [hbm4b:s3+s10], $0x40, s21, s10, $0xb8;
	[tilespmem:$0x6A00] =	vst v63  }
0x12: {  	s22 =	sadd.s32 $0x200, s21  }
0x13: {  	[tilespmem:s12], [sflag:$0x1] =	stream.indirect.gather [hbm4b:s4+s10], $0x40, s22, s10, $0xb8;
	[tilespmem:$0x6A00] =	vst v63  }
0x14: {  	s21 =	sadd.s32 $0x400, s21  }
0x15: {  	[tilespmem:s13], [sflag:$0x1] =	stream.indirect.gather [hbm4b:s4+s10], $0x40, s21, s10, $0xb8;
	[tilespmem:$0x6A00] =	vst v63  }
0x16: {  	s30 =	simm.s32 $0x0;
	_ =	swait.ge [sflag:s14], $0x2000  }
0x17: {  	v0 =	vmov s30;
	[sflag:s14] =	ssyncset.done $0x0  }
0x18: {  	v0 =	vshll.u32 v0, $0x6;
	[sflag:s14] =	ssyncadd.s32 $0xFFFFE000  }
0x19: {  	v3 =	vor.u32 v56, v0;
	_ =	swait.ge [sflag:s14], $0x2000  }
0x1a: {  	v0 =	vor.u32 $0x15, v3;
	[sflag:s14] =	ssyncset.done $0x0  }
0x1b: {  	[sflag:s14] =	ssyncadd.s32 $0xFFFFE000  }
0x1c: {  	v25 =	vor.u32 $0x9, v3;
	_ =	swait.ge [sflag:s14], $0x2000  }
0x1d: {  	v26 =	vor.u32 $0x8, v3;
	[sflag:s14] =	ssyncset.done $0x0  }
0x1e: {  	v27 =	vor.u32 $0x7, v3;
	[sflag:s14] =	ssyncadd.s32 $0xFFFFE000  }
0x1f: {  	v5 =	vor.u32 $0x14, v3;
	v1 =	vld.idx.msk [tilespmem:v0+s12+$0x0], $0xffff  }
0x20: {  	v28 =	vor.u32 $0x6, v3  }
0x21: {  	v29 =	vor.u32 $0x5, v3;
	v46 =	vld.idx.msk [tilespmem:v25+s12+$0x0], $0xffff  }
0x22: {  	v30 =	vor.u32 $0x4, v3;
	v44 =	vld.idx.msk [tilespmem:v26+s12+$0x0], $0xffff  }
0x23: {  	v31 =	vor.u32 $0x3, v3;
	v43 =	vld.idx.msk [tilespmem:v27+s12+$0x0], $0xffff  }
0x24: {  	v19 =	vor.u32 $0x13, v3;
	[tilespmem:$0x1FB20] =	vst v1;
	v1 =	vld.idx.msk [tilespmem:v5+s12+$0x0], $0xffff  }
0x25: {  	v32 =	vor.u32 $0x2, v3;
	v39 =	vld.idx.msk [tilespmem:v28+s12+$0x0], $0xffff  }
0x26: {  	v33 =	vor.u32 $0x1, v3;
	v38 =	vld.idx.msk [tilespmem:v29+s12+$0x0], $0xffff  }
0x27: {  	v36 =	vld.idx.msk [tilespmem:v30+s12+$0x0], $0xffff  }
0x28: {  	v34 =	vld.idx.msk [tilespmem:v31+s12+$0x0], $0xffff  }
0x29: {  	v14 =	vor.u32 $0x12, v3;
	[tilespmem:$0x1FB10] =	vst v1;
	v1 =	vld.idx.msk [tilespmem:v19+s12+$0x0], $0xffff  }
0x2a: {  	v35 =	vld.idx.msk [tilespmem:v32+s12+$0x0], $0xffff  }
0x2b: {  	v37 =	vld.idx.msk [tilespmem:v33+s12+$0x0], $0xffff  }
0x2c: {  	v40 =	vld.idx.msk [tilespmem:v33+s11+$0x0], $0xffff  }
0x2d: {  	v33 =	vld.idx.msk [tilespmem:v33+s13+$0x0], $0xffff  }
0x2e: {  	v18 =	vor.u32 $0x11, v3;
	[tilespmem:$0x1FB00] =	vst v1;
	v1 =	vld.idx.msk [tilespmem:v14+s12+$0x0], $0xffff  }
0x2f: {  	v41 =	vld.idx.msk [tilespmem:v32+s11+$0x0], $0xffff  }
0x30: {  	v42 =	vld.idx.msk [tilespmem:v32+s13+$0x0], $0xffff  }
0x31: {  	v45 =	vld.idx.msk [tilespmem:v31+s11+$0x0], $0xffff  }
0x32: {  	v47 =	vld.idx.msk [tilespmem:v31+s13+$0x0], $0xffff  }
0x33: {  	v15 =	vor.u32 $0x10, v3;
	[tilespmem:$0x1FAF0] =	vst v1;
	v1 =	vld.idx.msk [tilespmem:v18+s12+$0x0], $0xffff  }
0x34: {  	v48 =	vld.idx.msk [tilespmem:v30+s11+$0x0], $0xffff  }
0x35: {  	v49 =	vld.idx.msk [tilespmem:v30+s13+$0x0], $0xffff  }
0x36: {  	v50 =	vld.idx.msk [tilespmem:v29+s11+$0x0], $0xffff  }
0x37: {  	v52 =	vld.idx.msk [tilespmem:v28+s11+$0x0], $0xffff  }
0x38: {  	v13 =	vor.u32 $0xF, v3;
	[tilespmem:$0x1FAE0] =	vst v1;
	v1 =	vld.idx.msk [tilespmem:v15+s12+$0x0], $0xffff  }
0x39: {  	v53 =	vld.idx.msk [tilespmem:v28+s13+$0x0], $0xffff  }
0x3a: {  	v54 =	vld.idx.msk [tilespmem:v27+s11+$0x0], $0xffff  }
0x3b: {  	v23 =	vor.u32 $0xB, v3;
	v56 =	vld.idx.msk [tilespmem:v27+s13+$0x0], $0xffff  }
0x3c: {  	v57 =	vld.idx.msk [tilespmem:v26+s11+$0x0], $0xffff  }
0x3d: {  	v20 =	vor.u32 $0xE, v3;
	[tilespmem:$0x1FAD0] =	vst v1;
	v1 =	vld.idx.msk [tilespmem:v13+s12+$0x0], $0xffff  }
0x3e: {  	v22 =	vor.u32 $0xC, v3;
	v59 =	vld.idx.msk [tilespmem:v25+s11+$0x0], $0xffff  }
0x3f: {  	v60 =	vld.idx.msk [tilespmem:v25+s13+$0x0], $0xffff  }
0x40: {  	v21 =	vor.u32 $0xD, v3;
	v63 =	vld.idx.msk [tilespmem:v23+s11+$0x0], $0xffff  }
0x41: {  	v9 =	vld.idx.msk [tilespmem:v23+s13+$0x0], $0xffff  }
0x42: {  	[tilespmem:$0x1FAC0] =	vst v1;
	v1 =	vld.idx.msk [tilespmem:v20+s12+$0x0], $0xffff  }
0x43: {  	v4 =	vld.idx.msk [tilespmem:v22+s11+$0x0], $0xffff  }
0x44: {  	v10 =	vld.idx.msk [tilespmem:v22+s13+$0x0], $0xffff  }
0x45: {  	v6 =	vld.idx.msk [tilespmem:v21+s11+$0x0], $0xffff  }
0x46: {  	v11 =	vld.idx.msk [tilespmem:v21+s13+$0x0], $0xffff  }
0x47: {  	[tilespmem:$0x1FAB0] =	vst v1;
	v1 =	vld.idx.msk [tilespmem:v21+s12+$0x0], $0xffff  }
0x48: {  	v7 =	vld.idx.msk [tilespmem:v20+s11+$0x0], $0xffff  }
0x49: {  	v12 =	vld.idx.msk [tilespmem:v20+s13+$0x0], $0xffff  }
0x4a: {  	v32 =	vld.idx.msk [tilespmem:v5+s13+$0x0], $0xffff  }
0x4b: {  	v25 =	vld.idx.msk [tilespmem:v3+s12+$0x0], $0xffff  }
0x4c: {  	[tilespmem:$0x1FAA0] =	vst v1;
	v1 =	vld.idx.msk [tilespmem:v22+s12+$0x0], $0xffff  }
0x4d: {  	v20 =	vld.idx.msk [tilespmem:v14+s11+$0x0], $0xffff  }
0x4e: {  	v21 =	vld.idx.msk [tilespmem:v14+s13+$0x0], $0xffff  }
0x4f: {  	v14 =	vld.idx.msk [tilespmem:v19+s11+$0x0], $0xffff  }
0x50: {  	v22 =	vld.idx.msk [tilespmem:v0+s11+$0x0], $0xffff  }
0x51: {  	[tilespmem:$0x1FA90] =	vst v1;
	v1 =	vld.idx.msk [tilespmem:v23+s12+$0x0], $0xffff  }
0x52: {  	v23 =	vld.idx.msk [tilespmem:v19+s13+$0x0], $0xffff  }
0x53: {  	v19 =	vld.idx.msk [tilespmem:v5+s11+$0x0], $0xffff;
	v5 =	vor.u32 $0x16, v3  }
0x54: {  	v0 =	vld.idx.msk [tilespmem:v0+s13+$0x0], $0xffff  }
0x55: {  	v27 =	vld.idx.msk [tilespmem:v3+s11+$0x0], $0xffff  }
0x56: {  	v30 =	vor.u32 $0x17, v3;
	v31 =	vld.idx.msk [tilespmem:v3+s13+$0x0], $0xffff  }
0x57: {  	v58 =	vld.idx.msk [tilespmem:v26+s13+$0x0], $0xffff  }
0x58: {  	[tilespmem:$0x1FA80] =	vst v1;
	v1 =	vld.idx.msk [tilespmem:v5+s13+$0x0], $0xffff  }
0x59: {  	[tilespmem:$0x1FB30] =	vst v0;
	v0 =	vor.u32 $0x18, v3;
	v28 =	vld.idx.msk [tilespmem:v5+s12+$0x0], $0xffff  }
0x5a: {  	v26 =	vld.idx.msk [tilespmem:v5+s11+$0x0], $0xffff;
	v5 =	vmul.f32 v25, v27  }
0x5b: {  	v2 =	vmul.f32 v31, v27;
	v31 =	vld.idx.msk [tilespmem:v30+s13+$0x0], $0xffff  }
0x5c: {  	v37 =	vmul.f32 v37, v40;
	v27 =	vld.idx.msk [tilespmem:v30+s11+$0x0], $0xffff;
	v5 =	vadd.f32 $0.0e+00, v5  }
0x5d: {  	[tilespmem:$0x1FB40] =	vst v1;
	v1 =	vld.idx.msk [tilespmem:v30+s12+$0x0], $0xffff  }
0x5e: {  	v40 =	vmul.f32 v33, v40;
	v35 =	vmul.f32 v35, v41;
	v33 =	vld.idx.msk [tilespmem:v0+s11+$0x0], $0xffff;
	v5 =	vadd.f32 v37, v5  }
0x5f: {  	v25 =	vld.idx.msk [tilespmem:v0+s13+$0x0], $0xffff  }
0x60: {  	v24 =	vor.u32 $0xA, v3;
	v30 =	vld.idx.msk [tilespmem:v0+s12+$0x0], $0xffff;
	v0 =	vadd.f32 v35, v5;
	v5 =	vmul.f32 v34, v45;
	_ =	sdelay $0x1  }
0x61: {  	v0 =	vadd.f32 v5, v0;
	v5 =	vmul.f32 v36, v48;
	[tilespmem:$0x1FB50] =	vst v1;
	v1 =	vor.u32 $0x19, v3  }
0x62: {  	v2 =	vadd.f32 $0.0e+00, v2  }
0x63: {  	v0 =	vadd.f32 v5, v0;
	v5 =	vmul.f32 v38, v50  }
0x64: {  	v17 =	vld.idx.msk [tilespmem:v24+s12+$0x0], $0xffff;
	v41 =	vmul.f32 v42, v41;
	v40 =	vadd.f32 v40, v2  }
0x65: {  	v51 =	vld.idx.msk [tilespmem:v29+s13+$0x0], $0xffff;
	v0 =	vadd.f32 v5, v0;
	v5 =	vmul.f32 v39, v52  }
0x66: {  	v42 =	vmul.f32 v47, v45;
	v41 =	vadd.f32 v41, v40;
	v29 =	vld.idx.msk [tilespmem:v1+s12+$0x0], $0xffff  }
0x67: {  	v0 =	vadd.f32 v5, v0;
	v5 =	vmul.f32 v43, v54;
	v35 =	vld.idx.msk [tilespmem:v1+s11+$0x0], $0xffff  }
0x68: {  	v49 =	vmul.f32 v49, v48;
	v40 =	vld.idx.msk [tilespmem:v1+s13+$0x0], $0xffff;
	v1 =	vadd.f32 v42, v41  }
0x69: {  	v61 =	vld.idx.msk [tilespmem:v24+s11+$0x0], $0xffff;
	v0 =	vadd.f32 v5, v0;
	v5 =	vmul.f32 v44, v57  }
0x6a: {  	v62 =	vld.idx.msk [tilespmem:v24+s13+$0x0], $0xffff;
	v51 =	vmul.f32 v51, v50;
	v1 =	vadd.f32 v49, v1  }
0x6b: {  	v5 =	vadd.f32 v5, v0;
	v0 =	vld [tilespmem:$0x1FA80]  }
0x6c: {  	v53 =	vmul.f32 v53, v52;
	v1 =	vadd.f32 v51, v1;
	_ =	sdelay $0x1  }
0x6d: {  	v56 =	vmul.f32 v56, v54;
	v1 =	vadd.f32 v53, v1  }
0x6e: {  	v17 =	vmul.f32 v17, v61;
	v61 =	vmul.f32 v62, v61  }
0x6f: {  	v1 =	vadd.f32 v56, v1;
	v56 =	vor.u32 $0x3F, v3;
	v62 =	vmul.f32 v0, v63;
	v0 =	vld [tilespmem:$0x1FA90];
	_ =	sdelay $0x4  }
0x70: {  	v34 =	vmul.f32 v58, v57;
	v57 =	vor.u32 $0x3E, v3;
	v54 =	vmul.f32 v0, v4;
	v0 =	vld.idx.msk [tilespmem:v56+s12+$0x0], $0xffff;
	_ =	sdelay $0x4  }
0x71: {  	[tilespmem:$0x1FBA0] =	vst v0;
	v0 =	vld.idx.msk [tilespmem:v57+s12+$0x0], $0xffff;
	_ =	sdelay $0x1  }
0x72: {  	v52 =	vmul.f32 v46, v59  }
0x73: {  	v1 =	vadd.f32 v34, v1;
	v34 =	vmul.f32 v60, v59  }
0x74: {  	v60 =	vadd.f32 v52, v5  }
0x75: {  	v1 =	vadd.f32 v34, v1;
	v34 =	vor.u32 $0x3D, v3;
	[tilespmem:$0x1FB90] =	vst v0;
	v0 =	vld [tilespmem:$0x1FAA0]  }
0x76: {  	v17 =	vadd.f32 v17, v60;
	_ =	sdelay $0x1  }
0x77: {  	v17 =	vadd.f32 v62, v17;
	_ =	sdelay $0x1  }
0x78: {  	v4 =	vmul.f32 v10, v4;
	v10 =	vadd.f32 v54, v17;
	v17 =	vmul.f32 v0, v6;
	v0 =	vld.idx.msk [tilespmem:v34+s12+$0x0], $0xffff;
	_ =	sdelay $0x4  }
0x79: {  	[tilespmem:$0x1FB80] =	vst v0;
	v0 =	vld [tilespmem:$0x1FAB0]  }
0x7a: {  	v9 =	vmul.f32 v9, v63;
	v1 =	vadd.f32 v61, v1;
	_ =	sdelay $0x1  }
0x7b: {  	v9 =	vadd.f32 v9, v1  }
0x7c: {  	v8 =	vld.idx.msk [tilespmem:v13+s11+$0x0], $0xffff  }
0x7d: {  	v4 =	vadd.f32 v4, v9;
	v9 =	vadd.f32 v17, v10;
	v10 =	vmul.f32 v0, v7;
	v0 =	vld [tilespmem:$0x1FAC0];
	_ =	sdelay $0x2  }
0x7e: {  	v16 =	vld.idx.msk [tilespmem:v13+s13+$0x0], $0xffff  }
0x7f: {  	v13 =	vld.idx.msk [tilespmem:v15+s11+$0x0], $0xffff  }
0x80: {  	v6 =	vmul.f32 v11, v6;
	v9 =	vadd.f32 v10, v9;
	v10 =	vmul.f32 v0, v8;
	v0 =	vld [tilespmem:$0x1FAD0];
	_ =	sdelay $0x1  }
0x81: {  	v4 =	vadd.f32 v6, v4;
	v6 =	vmul.f32 v12, v7  }
0x82: {  	v55 =	vld.idx.msk [tilespmem:v15+s13+$0x0], $0xffff  }
0x83: {  	v15 =	vld.idx.msk [tilespmem:v18+s11+$0x0], $0xffff;
	v4 =	vadd.f32 v6, v4  }
0x84: {  	v6 =	vmul.f32 v16, v8;
	v8 =	vadd.f32 v10, v9;
	v10 =	vmul.f32 v0, v13;
	v0 =	vld [tilespmem:$0x1FAE0];
	_ =	sdelay $0x4  }
0x85: {  	v24 =	vor.u32 $0x3C, v3;
	v8 =	vadd.f32 v10, v8;
	v10 =	vmul.f32 v0, v15;
	v0 =	vld [tilespmem:$0x1FAF0];
	_ =	sdelay $0x1  }
0x86: {  	v47 =	vor.u32 $0x1C, v3  }
0x87: {  	v37 =	vor.u32 $0x1A, v3;
	_ =	sdelay $0x1  }
0x88: {  	v9 =	vor.u32 $0x3B, v3;
	v16 =	vmul.f32 v0, v20;
	v0 =	vld.idx.msk [tilespmem:v24+s12+$0x0], $0xffff  }
0x89: {  	v18 =	vld.idx.msk [tilespmem:v18+s13+$0x0], $0xffff;
	v45 =	vor.u32 $0x1B, v3  }
0x8a: {  	v48 =	vld.idx.msk [tilespmem:v47+s13+$0x0], $0xffff  }
0x8b: {  	v36 =	vld.idx.msk [tilespmem:v37+s12+$0x0], $0xffff  }
0x8c: {  	v38 =	vld.idx.msk [tilespmem:v37+s11+$0x0], $0xffff  }
0x8d: {  	[tilespmem:$0x1FB70] =	vst v0;
	v0 =	vld.idx.msk [tilespmem:v9+s12+$0x0], $0xffff  }
0x8e: {  	v39 =	vld.idx.msk [tilespmem:v45+s12+$0x0], $0xffff  }
0x8f: {  	v43 =	vld.idx.msk [tilespmem:v47+s12+$0x0], $0xffff  }
0x90: {  	v42 =	vld.idx.msk [tilespmem:v37+s13+$0x0], $0xffff;
	v49 =	vor.u32 $0x1D, v3  }
0x91: {  	v41 =	vld.idx.msk [tilespmem:v45+s11+$0x0], $0xffff  }
0x92: {  	[tilespmem:$0x1FB60] =	vst v0;
	v0 =	vld [tilespmem:$0x1FB00]  }
0x93: {  	v45 =	vld.idx.msk [tilespmem:v45+s13+$0x0], $0xffff  }
0x94: {  	v37 =	vor.u32 $0x20, v3;
	v44 =	vld.idx.msk [tilespmem:v47+s11+$0x0], $0xffff  }
0x95: {  	v53 =	vor.u32 $0x1E, v3;
	v46 =	vld.idx.msk [tilespmem:v49+s12+$0x0], $0xffff  }
0x96: {  	v47 =	vld.idx.msk [tilespmem:v49+s11+$0x0], $0xffff  }
0x97: {  	v17 =	vmul.f32 v0, v14;
	v0 =	vld [tilespmem:$0x1FB10]  }
0x98: {  	v58 =	vor.u32 $0x1F, v3;
	v50 =	vld.idx.msk [tilespmem:v49+s13+$0x0], $0xffff;
	v12 =	vadd.f32 v10, v8  }
0x99: {  	v63 =	vld.idx.msk [tilespmem:v37+s11+$0x0], $0xffff;
	v4 =	vadd.f32 v6, v4;
	v6 =	vmul.f32 v55, v13  }
0x9a: {  	v51 =	vld.idx.msk [tilespmem:v53+s12+$0x0], $0xffff;
	v16 =	vadd.f32 v16, v12  }
0x9b: {  	v52 =	vld.idx.msk [tilespmem:v53+s11+$0x0], $0xffff;
	v4 =	vadd.f32 v6, v4;
	v6 =	vmul.f32 v18, v15  }
0x9c: {  	v59 =	vor.u32 $0x21, v3;
	v53 =	vld.idx.msk [tilespmem:v53+s13+$0x0], $0xffff;
	v16 =	vadd.f32 v17, v16;
	v0 =	vmul.f32 v0, v19  }
0x9d: {  	v60 =	vld.idx.msk [tilespmem:v58+s13+$0x0], $0xffff;
	v4 =	vadd.f32 v6, v4;
	v6 =	vmul.f32 v21, v20  }
0x9e: {  	v2 =	vadd.f32 v0, v16;
	v0 =	vld [tilespmem:$0x1FB20]  }
0x9f: {  	v61 =	vld.idx.msk [tilespmem:v58+s12+$0x0], $0xffff;
	v4 =	vadd.f32 v6, v4;
	v6 =	vmul.f32 v23, v14  }
0xa0: {  	v62 =	vld.idx.msk [tilespmem:v58+s11+$0x0], $0xffff  }
0xa1: {  	v49 =	vld.idx.msk [tilespmem:v59+s12+$0x0], $0xffff;
	v11 =	vor.u32 $0x3A, v3;
	v4 =	vadd.f32 v6, v4;
	v6 =	vmul.f32 v32, v19  }
0xa2: {  	v54 =	vld.idx.msk [tilespmem:v37+s12+$0x0], $0xffff  }
0xa3: {  	v4 =	vadd.f32 v6, v4;
	v6 =	vld [tilespmem:$0x1FB30];
	v1 =	vmul.f32 v0, v22  }
0xa4: {  	v5 =	vor.u32 $0x24, v3;
	v37 =	vld.idx.msk [tilespmem:v37+s13+$0x0], $0xffff  }
0xa5: {  	v2 =	vadd.f32 v1, v2;
	v1 =	vld [tilespmem:$0x1FB40]  }
0xa6: {  	v58 =	vld.idx.msk [tilespmem:v11+s12+$0x0], $0xffff;
	v23 =	vor.u32 $0x34, v3  }
0xa7: {  	v55 =	vld.idx.msk [tilespmem:v59+s11+$0x0], $0xffff;
	v15 =	vor.u32 $0x38, v3  }
0xa8: {  	v59 =	vld.idx.msk [tilespmem:v59+s13+$0x0], $0xffff;
	v18 =	vor.u32 $0x37, v3;
	v6 =	vmul.f32 v6, v22  }
0xa9: {  	v7 =	vld.idx.msk [tilespmem:v5+s12+$0x0], $0xffff;
	v20 =	vor.u32 $0x36, v3  }
0xaa: {  	v21 =	vor.u32 $0x35, v3;
	v4 =	vadd.f32 v6, v4;
	v6 =	vmul.f32 v1, v26;
	v1 =	vld [tilespmem:$0x1FB50]  }
0xab: {  	v32 =	vor.u32 $0x23, v3;
	v12 =	vld.idx.msk [tilespmem:v23+s12+$0x0], $0xffff  }
0xac: {  	v17 =	vld.idx.msk [tilespmem:v15+s12+$0x0], $0xffff;
	v0 =	vor.u32 $0x22, v3  }
0xad: {  	v28 =	vmul.f32 v28, v26;
	v19 =	vld.idx.msk [tilespmem:v18+s12+$0x0], $0xffff  }
0xae: {  	v16 =	vld.idx.msk [tilespmem:v20+s12+$0x0], $0xffff  }
0xaf: {  	v22 =	vld.idx.msk [tilespmem:v21+s12+$0x0], $0xffff;
	v2 =	vadd.f32 v28, v2;
	v26 =	vmul.f32 v1, v27  }
0xb0: {  	v28 =	vld.idx.msk [tilespmem:v32+s12+$0x0], $0xffff;
	v4 =	vadd.f32 v6, v4;
	v6 =	vmul.f32 v31, v27  }
0xb1: {  	v39 =	vmul.f32 v39, v41;
	v1 =	vld.idx.msk [tilespmem:v0+s12+$0x0], $0xffff;
	v2 =	vadd.f32 v26, v2;
	v26 =	vmul.f32 v30, v33  }
0xb2: {  	v45 =	vmul.f32 v45, v41;
	v4 =	vadd.f32 v6, v4;
	v6 =	vmul.f32 v25, v33;
	v30 =	vld.idx.msk [tilespmem:v0+s11+$0x0], $0xffff  }
0xb3: {  	v25 =	vor.u32 $0x33, v3;
	v33 =	vld.idx.msk [tilespmem:v0+s13+$0x0], $0xffff;
	v0 =	vadd.f32 v26, v2;
	v2 =	vmul.f32 v29, v35  }
0xb4: {  	v4 =	vadd.f32 v6, v4;
	v6 =	vmul.f32 v40, v35;
	v26 =	vld.idx.msk [tilespmem:v32+s11+$0x0], $0xffff;
	v29 =	vor.u32 $0x31, v3  }
0xb5: {  	v31 =	vor.u32 $0x30, v3;
	v32 =	vld.idx.msk [tilespmem:v32+s13+$0x0], $0xffff;
	v0 =	vadd.f32 v2, v0;
	v2 =	vmul.f32 v36, v38  }
0xb6: {  	v41 =	vor.u32 $0x2D, v3;
	v6 =	vadd.f32 v6, v4;
	v35 =	vld.idx.msk [tilespmem:v5+s11+$0x0], $0xffff;
	v36 =	vmul.f32 v42, v38  }
0xb7: {  	v13 =	vor.u32 $0x39, v3;
	v5 =	vld.idx.msk [tilespmem:v5+s13+$0x0], $0xffff;
	v38 =	vor.u32 $0x2F, v3;
	v2 =	vadd.f32 v2, v0  }
0xb8: {  	v40 =	vor.u32 $0x2E, v3;
	v10 =	vld.idx.msk [tilespmem:v25+s12+$0x0], $0xffff;
	v42 =	vmul.f32 v43, v44;
	v6 =	vadd.f32 v36, v6  }
0xb9: {  	v36 =	vmul.f32 v48, v44;
	v44 =	vor.u32 $0x2B, v3;
	v4 =	vld.idx.msk [tilespmem:v29+s12+$0x0], $0xffff;
	v39 =	vadd.f32 v39, v2  }
0xba: {  	v27 =	vor.u32 $0x32, v3;
	v43 =	vor.u32 $0x2C, v3;
	v6 =	vadd.f32 v45, v6;
	v45 =	vld.idx.msk [tilespmem:v31+s12+$0x0], $0xffff  }
0xbb: {  	v2 =	vld.idx.msk [tilespmem:v41+s12+$0x0], $0xffff;
	v39 =	vadd.f32 v42, v39;
	v42 =	vmul.f32 v46, v47;
	v46 =	vor.u32 $0x2A, v3  }
0xbc: {  	v48 =	vld.idx.msk [tilespmem:v38+s12+$0x0], $0xffff;
	v6 =	vadd.f32 v36, v6;
	v36 =	vmul.f32 v50, v47;
	v47 =	vor.u32 $0x29, v3  }
0xbd: {  	v50 =	vld.idx.msk [tilespmem:v40+s12+$0x0], $0xffff;
	v39 =	vadd.f32 v42, v39;
	v42 =	vmul.f32 v51, v52;
	v51 =	vor.u32 $0x28, v3  }
0xbe: {  	v0 =	vld.idx.msk [tilespmem:v44+s12+$0x0], $0xffff;
	v6 =	vadd.f32 v36, v6;
	v36 =	vmul.f32 v53, v52;
	v52 =	vor.u32 $0x27, v3  }
0xbf: {  	v53 =	vld.idx.msk [tilespmem:v43+s12+$0x0], $0xffff;
	v39 =	vadd.f32 v42, v39;
	v42 =	vmul.f32 v61, v62;
	v61 =	vor.u32 $0x26, v3  }
0xc0: {  	v6 =	vadd.f32 v36, v6;
	v36 =	vmul.f32 v60, v62;
	v3 =	vor.u32 $0x25, v3;
	v60 =	vld.idx.msk [tilespmem:v46+s12+$0x0], $0xffff  }
0xc1: {  	v39 =	vadd.f32 v42, v39;
	v42 =	vmul.f32 v54, v63;
	v54 =	vld.idx.msk [tilespmem:v47+s12+$0x0], $0xffff  }
0xc2: {  	v62 =	vmul.f32 v37, v63;
	v6 =	vadd.f32 v36, v6;
	v37 =	vld.idx.msk [tilespmem:v51+s12+$0x0], $0xffff  }
0xc3: {  	v63 =	vmul.f32 v49, v55;
	v49 =	vld.idx.msk [tilespmem:v52+s12+$0x0], $0xffff;
	v39 =	vadd.f32 v42, v39  }
0xc4: {  	v59 =	vmul.f32 v59, v55;
	v6 =	vadd.f32 v62, v6;
	v62 =	vld.idx.msk [tilespmem:v61+s12+$0x0], $0xffff  }
0xc5: {  	v1 =	vmul.f32 v1, v30;
	v36 =	vld.idx.msk [tilespmem:v3+s11+$0x0], $0xffff;
	v39 =	vadd.f32 v63, v39  }
0xc6: {  	v30 =	vmul.f32 v33, v30;
	v63 =	vld.idx.msk [tilespmem:v3+s12+$0x0], $0xffff;
	v6 =	vadd.f32 v59, v6  }
0xc7: {  	v28 =	vmul.f32 v28, v26;
	v3 =	vld.idx.msk [tilespmem:v3+s13+$0x0], $0xffff;
	v1 =	vadd.f32 v1, v39  }
0xc8: {  	v26 =	vmul.f32 v32, v26;
	v6 =	vadd.f32 v30, v6;
	v30 =	vld.idx.msk [tilespmem:v61+s11+$0x0], $0xffff  }
0xc9: {  	v7 =	vmul.f32 v7, v35;
	v39 =	vld.idx.msk [tilespmem:v61+s13+$0x0], $0xffff;
	v1 =	vadd.f32 v28, v1  }
0xca: {  	v5 =	vmul.f32 v5, v35;
	v28 =	vld.idx.msk [tilespmem:v52+s11+$0x0], $0xffff;
	v6 =	vadd.f32 v26, v6  }
0xcb: {  	v26 =	vld.idx.msk [tilespmem:v52+s13+$0x0], $0xffff;
	v1 =	vadd.f32 v7, v1;
	v7 =	vmul.f32 v63, v36  }
0xcc: {  	v52 =	vld.idx.msk [tilespmem:v51+s11+$0x0], $0xffff;
	v3 =	vmul.f32 v3, v36;
	v5 =	vadd.f32 v5, v6  }
0xcd: {  	v6 =	vld.idx.msk [tilespmem:v51+s13+$0x0], $0xffff;
	v1 =	vadd.f32 v7, v1;
	v7 =	vmul.f32 v62, v30  }
0xce: {  	v59 =	vld.idx.msk [tilespmem:v47+s11+$0x0], $0xffff;
	v3 =	vadd.f32 v3, v5;
	v5 =	vmul.f32 v39, v30  }
0xcf: {  	v30 =	vld.idx.msk [tilespmem:v47+s13+$0x0], $0xffff;
	v1 =	vadd.f32 v7, v1;
	v7 =	vmul.f32 v49, v28  }
0xd0: {  	v61 =	vld.idx.msk [tilespmem:v46+s11+$0x0], $0xffff;
	v3 =	vadd.f32 v5, v3;
	v5 =	vmul.f32 v26, v28  }
0xd1: {  	v26 =	vld.idx.msk [tilespmem:v46+s13+$0x0], $0xffff;
	v1 =	vadd.f32 v7, v1;
	v7 =	vmul.f32 v37, v52  }
0xd2: {  	v28 =	vld.idx.msk [tilespmem:v44+s11+$0x0], $0xffff;
	v3 =	vadd.f32 v5, v3;
	v5 =	vmul.f32 v6, v52  }
0xd3: {  	v6 =	vld.idx.msk [tilespmem:v44+s13+$0x0], $0xffff;
	v1 =	vadd.f32 v7, v1;
	v7 =	vmul.f32 v54, v59  }
0xd4: {  	v62 =	vld.idx.msk [tilespmem:v43+s11+$0x0], $0xffff;
	v3 =	vadd.f32 v5, v3;
	v5 =	vmul.f32 v30, v59  }
0xd5: {  	v30 =	vld.idx.msk [tilespmem:v43+s13+$0x0], $0xffff;
	v1 =	vadd.f32 v7, v1;
	v7 =	vmul.f32 v60, v61  }
0xd6: {  	v63 =	vld.idx.msk [tilespmem:v41+s11+$0x0], $0xffff;
	v3 =	vadd.f32 v5, v3;
	v5 =	vmul.f32 v26, v61  }
0xd7: {  	v0 =	vmul.f32 v0, v28;
	v26 =	vld.idx.msk [tilespmem:v41+s13+$0x0], $0xffff;
	v1 =	vadd.f32 v7, v1  }
0xd8: {  	v7 =	vld.idx.msk [tilespmem:v40+s11+$0x0], $0xffff;
	v3 =	vadd.f32 v5, v3;
	v5 =	vmul.f32 v6, v28  }
0xd9: {  	v6 =	vld.idx.msk [tilespmem:v40+s13+$0x0], $0xffff;
	v0 =	vadd.f32 v0, v1;
	v1 =	vmul.f32 v53, v62  }
0xda: {  	v28 =	vld.idx.msk [tilespmem:v38+s11+$0x0], $0xffff;
	v3 =	vadd.f32 v5, v3;
	v5 =	vmul.f32 v30, v62  }
0xdb: {  	v30 =	vld.idx.msk [tilespmem:v38+s13+$0x0], $0xffff;
	v0 =	vadd.f32 v1, v0;
	v1 =	vmul.f32 v2, v63  }
0xdc: {  	v2 =	vld.idx.msk [tilespmem:v31+s11+$0x0], $0xffff;
	v3 =	vadd.f32 v5, v3  }
0xdd: {  	v5 =	vmul.f32 v26, v63;
	v26 =	vld.idx.msk [tilespmem:v31+s13+$0x0], $0xffff;
	v0 =	vadd.f32 v1, v0;
	v1 =	vmul.f32 v50, v7  }
0xde: {  	v31 =	vld.idx.msk [tilespmem:v29+s11+$0x0], $0xffff  }
0xdf: {  	v8 =	vld.idx.msk [tilespmem:v27+s12+$0x0], $0xffff;
	v0 =	vadd.f32 v1, v0;
	v1 =	vmul.f32 v48, v28  }
0xe0: {  	v3 =	vadd.f32 v5, v3;
	v5 =	vmul.f32 v6, v7;
	v7 =	vld.idx.msk [tilespmem:v27+s11+$0x0], $0xffff  }
0xe1: {  	v6 =	vld.idx.msk [tilespmem:v29+s13+$0x0], $0xffff;
	v0 =	vadd.f32 v1, v0;
	v1 =	vmul.f32 v45, v2  }
0xe2: {  	v3 =	vadd.f32 v5, v3;
	v5 =	vmul.f32 v30, v28;
	v28 =	vld.idx.msk [tilespmem:v25+s11+$0x0], $0xffff  }
0xe3: {  	v27 =	vld.idx.msk [tilespmem:v27+s13+$0x0], $0xffff;
	v0 =	vadd.f32 v1, v0;
	v1 =	vmul.f32 v4, v31  }
0xe4: {  	v3 =	vadd.f32 v5, v3;
	v2 =	vmul.f32 v26, v2;
	v4 =	vld.idx.msk [tilespmem:v23+s11+$0x0], $0xffff  }
0xe5: {  	v5 =	vld.idx.msk [tilespmem:v25+s13+$0x0], $0xffff;
	v0 =	vadd.f32 v1, v0;
	v1 =	vmul.f32 v8, v7  }
0xe6: {  	v2 =	vadd.f32 v2, v3;
	v3 =	vmul.f32 v6, v31;
	v8 =	vld.idx.msk [tilespmem:v21+s11+$0x0], $0xffff  }
0xe7: {  	v6 =	vld.idx.msk [tilespmem:v23+s13+$0x0], $0xffff;
	v0 =	vadd.f32 v1, v0;
	v1 =	vmul.f32 v10, v28  }
0xe8: {  	v2 =	vadd.f32 v3, v2;
	v3 =	vmul.f32 v27, v7;
	v10 =	vld.idx.msk [tilespmem:v20+s11+$0x0], $0xffff  }
0xe9: {  	v7 =	vld.idx.msk [tilespmem:v21+s13+$0x0], $0xffff;
	v0 =	vadd.f32 v1, v0;
	v1 =	vmul.f32 v12, v4  }
0xea: {  	v2 =	vadd.f32 v3, v2;
	v3 =	vmul.f32 v5, v28;
	v12 =	vld.idx.msk [tilespmem:v18+s11+$0x0], $0xffff  }
0xeb: {  	v5 =	vld.idx.msk [tilespmem:v20+s13+$0x0], $0xffff;
	v0 =	vadd.f32 v1, v0;
	v1 =	vmul.f32 v22, v8  }
0xec: {  	v2 =	vadd.f32 v3, v2;
	v3 =	vmul.f32 v6, v4;
	v6 =	vld.idx.msk [tilespmem:v15+s11+$0x0], $0xffff  }
0xed: {  	v14 =	vld.idx.msk [tilespmem:v13+s12+$0x0], $0xffff;
	v0 =	vadd.f32 v1, v0;
	v1 =	vmul.f32 v16, v10  }
0xee: {  	v2 =	vadd.f32 v3, v2;
	v3 =	vmul.f32 v7, v8;
	v8 =	vld.idx.msk [tilespmem:v13+s11+$0x0], $0xffff  }
0xef: {  	v4 =	vld.idx.msk [tilespmem:v18+s13+$0x0], $0xffff;
	v0 =	vadd.f32 v1, v0;
	v1 =	vmul.f32 v19, v12  }
0xf0: {  	v2 =	vadd.f32 v3, v2;
	v3 =	vmul.f32 v5, v10;
	v10 =	vld.idx.msk [tilespmem:v11+s11+$0x0], $0xffff  }
0xf1: {  	v0 =	vadd.f32 v1, v0;
	v1 =	vmul.f32 v17, v6;
	_ =	sdelay $0x1  }
0xf2: {  	v0 =	vadd.f32 v1, v0;
	v1 =	vmul.f32 v14, v8  }
0xf3: {  	v2 =	vadd.f32 v3, v2  }
0xf4: {  	v3 =	vmul.f32 v4, v12;
	v4 =	vld.idx.msk [tilespmem:v11+s13+$0x0], $0xffff;
	v0 =	vadd.f32 v1, v0;
	v1 =	vmul.f32 v58, v10  }
0xf5: {  	v11 =	vld.idx.msk [tilespmem:v9+s11+$0x0], $0xffff  }
0xf6: {  	v0 =	vadd.f32 v1, v0;
	v1 =	vld [tilespmem:$0x1FB60]  }
0xf7: {  	v7 =	vld.idx.msk [tilespmem:v15+s13+$0x0], $0xffff;
	_ =	sdelay $0x3  }
0xf8: {  	v1 =	vmul.f32 v1, v11  }
0xf9: {  	v2 =	vadd.f32 v3, v2;
	v3 =	vmul.f32 v7, v6;
	v7 =	vld.idx.msk [tilespmem:v24+s11+$0x0], $0xffff  }
0xfa: {  	v0 =	vadd.f32 v1, v0;
	v1 =	vld [tilespmem:$0x1FB70]  }
0xfb: {  	v5 =	vld.idx.msk [tilespmem:v13+s13+$0x0], $0xffff;
	_ =	sdelay $0x3  }
0xfc: {  	v1 =	vmul.f32 v1, v7  }
0xfd: {  	v2 =	vadd.f32 v3, v2;
	v3 =	vmul.f32 v5, v8;
	v8 =	vld.idx.msk [tilespmem:v34+s11+$0x0], $0xffff  }
0xfe: {  	v0 =	vadd.f32 v1, v0;
	v1 =	vld [tilespmem:$0x1FB80];
	_ =	sdelay $0x1  }
0xff: {  	v6 =	vld.idx.msk [tilespmem:v9+s13+$0x0], $0xffff;
	_ =	sdelay $0x1  }
0x100: {  	v5 =	vld.idx.msk [tilespmem:v24+s13+$0x0], $0xffff  }
0x101: {  	v9 =	vld.idx.msk [tilespmem:v57+s11+$0x0], $0xffff;
	v2 =	vadd.f32 v3, v2;
	v3 =	vmul.f32 v4, v10;
	v1 =	vmul.f32 v1, v8  }
0x102: {  	v4 =	vld.idx.msk [tilespmem:v34+s13+$0x0], $0xffff  }
0x103: {  	v2 =	vadd.f32 v3, v2;
	v3 =	vmul.f32 v6, v11;
	v0 =	vadd.f32 v1, v0;
	v1 =	vld [tilespmem:$0x1FB90]  }
0x104: {  	v6 =	vld.idx.msk [tilespmem:v57+s13+$0x0], $0xffff  }
0x105: {  	v2 =	vadd.f32 v3, v2;
	v3 =	vmul.f32 v5, v7;
	_ =	sdelay $0x1  }
0x106: {  	v2 =	vadd.f32 v3, v2;
	v3 =	vmul.f32 v4, v8  }
0x107: {  	v10 =	vld.idx.msk [tilespmem:v56+s11+$0x0], $0xffff;
	v1 =	vmul.f32 v1, v9  }
0x108: {  	v2 =	vadd.f32 v3, v2;
	v3 =	vmul.f32 v6, v9;
	v6 =	vld [tilespmem:$0x1FFF0]  }
0x109: {  	v0 =	vadd.f32 v1, v0;
	v1 =	vld [tilespmem:$0x1FBA0]  }
0x10a: {  	v5 =	vld.idx.msk [tilespmem:v56+s13+$0x0], $0xffff  }
0x10b: {  	s31 =	simm.s32 $0x10  }
0x10c: {  	v4 =	vmov s31  }
0x10d: {  	v4 =	vshll.u32 v4, $0x6  }
0x10e: {  	v49 =	vor.u32 v6, v4;
	v1 =	vmul.f32 v1, v10  }
0x10f: {  	v2 =	vadd.f32 v3, v2;
	v3 =	vmul.f32 v5, v10;
	v4 =	vor.u32 $0x3F, v49  }
0x110: {  	v0 =	vadd.f32 v1, v0  }
0x111: {  	v1 =	vadd.f32 v3, v2  }
0x112: {  	[tilespmem:s18+$0x0] =	vst v0  }
0x113: {  	[tilespmem:s19+$0x0] =	vst v1  }
0x114: {  	v5 =	vor.u32 $0x3E, v49;
	v0 =	vld.idx.msk [tilespmem:v4+s12+$0x0], $0xffff;
	_ =	sdelay $0x4  }
0x115: {  	v6 =	vor.u32 $0x3D, v49;
	[tilespmem:$0x1FBC0] =	vst v0;
	v0 =	vld.idx.msk [tilespmem:v5+s12+$0x0], $0xffff;
	_ =	sdelay $0x4  }
0x116: {  	v2 =	vor.u32 $0x3C, v49;
	[tilespmem:$0x1FBE0] =	vst v0;
	v0 =	vld.idx.msk [tilespmem:v6+s12+$0x0], $0xffff;
	_ =	sdelay $0x4  }
0x117: {  	v3 =	vor.u32 $0x3B, v49;
	[tilespmem:$0x1FC00] =	vst v0;
	v0 =	vld.idx.msk [tilespmem:v2+s12+$0x0], $0xffff;
	_ =	sdelay $0x4  }
0x118: {  	v1 =	vor.u32 $0x3A, v49;
	[tilespmem:$0x1FC20] =	vst v0;
	v0 =	vld.idx.msk [tilespmem:v3+s12+$0x0], $0xffff;
	_ =	sdelay $0x3  }
0x119: {  	[tilespmem:$0x1FBB0] =	vst v4  }
0x11a: {  	v4 =	vor.u32 $0x39, v49;
	[tilespmem:$0x1FC40] =	vst v0;
	v0 =	vld.idx.msk [tilespmem:v1+s12+$0x0], $0xffff;
	_ =	sdelay $0x3  }
0x11b: {  	[tilespmem:$0x1FBD0] =	vst v5  }
0x11c: {  	v5 =	vor.u32 $0x38, v49;
	[tilespmem:$0x1FC60] =	vst v0;
	v0 =	vld.idx.msk [tilespmem:v4+s12+$0x0], $0xffff;
	_ =	sdelay $0x3  }
0x11d: {  	[tilespmem:$0x1FBF0] =	vst v6  }
0x11e: {  	v6 =	vor.u32 $0x37, v49;
	[tilespmem:$0x1FC80] =	vst v0;
	v0 =	vld.idx.msk [tilespmem:v5+s12+$0x0], $0xffff;
	_ =	sdelay $0x3  }
0x11f: {  	[tilespmem:$0x1FC10] =	vst v2  }
0x120: {  	v2 =	vor.u32 $0x36, v49;
	[tilespmem:$0x1FCA0] =	vst v0;
	v0 =	vld.idx.msk [tilespmem:v6+s12+$0x0], $0xffff;
	_ =	sdelay $0x3  }
0x121: {  	[tilespmem:$0x1FC30] =	vst v3  }
0x122: {  	v3 =	vor.u32 $0x35, v49;
	[tilespmem:$0x1FCC0] =	vst v0;
	v0 =	vld.idx.msk [tilespmem:v2+s12+$0x0], $0xffff;
	_ =	sdelay $0x3  }
0x123: {  	[tilespmem:$0x1FC50] =	vst v1  }
0x124: {  	v1 =	vor.u32 $0x34, v49;
	[tilespmem:$0x1FCE0] =	vst v0;
	v0 =	vld.idx.msk [tilespmem:v3+s12+$0x0], $0xffff;
	_ =	sdelay $0x3  }
0x125: {  	[tilespmem:$0x1FC70] =	vst v4  }
0x126: {  	v4 =	vor.u32 $0x33, v49;
	[tilespmem:$0x1FD00] =	vst v0;
	v0 =	vld.idx.msk [tilespmem:v1+s12+$0x0], $0xffff;
	_ =	sdelay $0x3  }
0x127: {  	[tilespmem:$0x1FC90] =	vst v5  }
0x128: {  	v5 =	vor.u32 $0x32, v49;
	[tilespmem:$0x1FD20] =	vst v0;
	v0 =	vld.idx.msk [tilespmem:v4+s12+$0x0], $0xffff;
	_ =	sdelay $0x3  }
0x129: {  	[tilespmem:$0x1FCB0] =	vst v6  }
0x12a: {  	v6 =	vor.u32 $0x31, v49;
	[tilespmem:$0x1FD40] =	vst v0;
	v0 =	vld.idx.msk [tilespmem:v5+s12+$0x0], $0xffff;
	_ =	sdelay $0x3  }
0x12b: {  	[tilespmem:$0x1FCD0] =	vst v2  }
0x12c: {  	v2 =	vor.u32 $0x30, v49;
	[tilespmem:$0x1FD60] =	vst v0;
	v0 =	vld.idx.msk [tilespmem:v6+s12+$0x0], $0xffff;
	_ =	sdelay $0x3  }
0x12d: {  	[tilespmem:$0x1FCF0] =	vst v3  }
0x12e: {  	v3 =	vor.u32 $0x2F, v49;
	[tilespmem:$0x1FD80] =	vst v0;
	v0 =	vld.idx.msk [tilespmem:v2+s12+$0x0], $0xffff;
	_ =	sdelay $0x3  }
0x12f: {  	[tilespmem:$0x1FD10] =	vst v1  }
0x130: {  	v1 =	vor.u32 $0x2E, v49;
	[tilespmem:$0x1FDA0] =	vst v0;
	v0 =	vld.idx.msk [tilespmem:v3+s12+$0x0], $0xffff;
	_ =	sdelay $0x3  }
0x131: {  	[tilespmem:$0x1FD30] =	vst v4  }
0x132: {  	v4 =	vor.u32 $0x2D, v49;
	[tilespmem:$0x1FDC0] =	vst v0;
	v0 =	vld.idx.msk [tilespmem:v1+s12+$0x0], $0xffff;
	_ =	sdelay $0x3  }
0x133: {  	[tilespmem:$0x1FD50] =	vst v5  }
0x134: {  	v5 =	vor.u32 $0x2C, v49;
	[tilespmem:$0x1FDE0] =	vst v0;
	v0 =	vld.idx.msk [tilespmem:v4+s12+$0x0], $0xffff;
	_ =	sdelay $0x3  }
0x135: {  	[tilespmem:$0x1FD70] =	vst v6  }
0x136: {  	v6 =	vor.u32 $0x2B, v49;
	[tilespmem:$0x1FE00] =	vst v0;
	v0 =	vld.idx.msk [tilespmem:v5+s12+$0x0], $0xffff;
	_ =	sdelay $0x3  }
0x137: {  	[tilespmem:$0x1FD90] =	vst v2  }
0x138: {  	v2 =	vor.u32 $0x2A, v49;
	[tilespmem:$0x1FE20] =	vst v0;
	v0 =	vld.idx.msk [tilespmem:v6+s12+$0x0], $0xffff;
	_ =	sdelay $0x3  }
0x139: {  	[tilespmem:$0x1FDB0] =	vst v3  }
0x13a: {  	v3 =	vor.u32 $0x29, v49;
	[tilespmem:$0x1FE40] =	vst v0;
	v0 =	vld.idx.msk [tilespmem:v2+s12+$0x0], $0xffff;
	_ =	sdelay $0x3  }
0x13b: {  	[tilespmem:$0x1FDD0] =	vst v1  }
0x13c: {  	v1 =	vor.u32 $0x28, v49;
	[tilespmem:$0x1FE60] =	vst v0;
	v0 =	vld.idx.msk [tilespmem:v3+s12+$0x0], $0xffff  }
0x13d: {  	[tilespmem:$0x1FE30] =	vst v6;
	v6 =	vor.u32 $0x25, v49;
	_ =	sdelay $0x2  }
0x13e: {  	[tilespmem:$0x1FE50] =	vst v2  }
0x13f: {  	[tilespmem:$0x1FE80] =	vst v0;
	v0 =	vld.idx.msk [tilespmem:v1+s12+$0x0], $0xffff  }
0x140: {  	[tilespmem:$0x1FE90] =	vst v1;
	v2 =	vor.u32 $0x24, v49;
	v1 =	vld.idx.msk [tilespmem:v6+s12+$0x0], $0xffff;
	_ =	sdelay $0x3  }
0x141: {  	[tilespmem:$0x1FDF0] =	vst v4;
	v4 =	vor.u32 $0x27, v49  }
0x142: {  	v58 =	vor.u32 $0x23, v49;
	[tilespmem:$0x1FF00] =	vst v1;
	v1 =	vld.idx.msk [tilespmem:v2+s12+$0x0], $0xffff;
	_ =	sdelay $0x2  }
0x143: {  	[tilespmem:$0x1FE10] =	vst v5  }
0x144: {  	v5 =	vor.u32 $0x26, v49;
	[tilespmem:$0x1FEA0] =	vst v0;
	v0 =	vld.idx.msk [tilespmem:v4+s12+$0x0], $0xffff  }
0x145: {  	v60 =	vor.u32 $0x22, v49;
	[tilespmem:$0x1FF20] =	vst v1;
	v1 =	vld.idx.msk [tilespmem:v58+s12+$0x0], $0xffff;
	_ =	sdelay $0x3  }
0x146: {  	[tilespmem:$0x1FEC0] =	vst v0;
	v0 =	vld.idx.msk [tilespmem:v5+s12+$0x0], $0xffff  }
0x147: {  	v62 =	vor.u32 $0x21, v49;
	[tilespmem:$0x1FF30] =	vst v1;
	v1 =	vld.idx.msk [tilespmem:v60+s12+$0x0], $0xffff;
	_ =	sdelay $0x3  }
0x148: {  	[tilespmem:$0x1FEE0] =	vst v0  }
0x149: {  	v0 =	vor.u32 $0x20, v49;
	[tilespmem:$0x1FF40] =	vst v1;
	v1 =	vld.idx.msk [tilespmem:v62+s12+$0x0], $0xffff;
	_ =	sdelay $0x3  }
0x14a: {  	[tilespmem:$0x1FEB0] =	vst v4  }
0x14b: {  	v4 =	vor.u32 $0x1F, v49;
	[tilespmem:$0x1FF50] =	vst v1;
	v1 =	vld.idx.msk [tilespmem:v0+s12+$0x0], $0xffff;
	_ =	sdelay $0x4  }
0x14c: {  	v7 =	vor.u32 $0x1E, v49;
	[tilespmem:$0x1FF60] =	vst v1;
	v1 =	vld.idx.msk [tilespmem:v4+s12+$0x0], $0xffff;
	_ =	sdelay $0x4  }
0x14d: {  	v11 =	vor.u32 $0x1D, v49;
	[tilespmem:$0x1FF70] =	vst v1;
	v1 =	vld.idx.msk [tilespmem:v7+s12+$0x0], $0xffff;
	_ =	sdelay $0x4  }
0x14e: {  	v15 =	vor.u32 $0x1C, v49;
	[tilespmem:$0x1FF80] =	vst v1;
	v1 =	vld.idx.msk [tilespmem:v11+s12+$0x0], $0xffff;
	_ =	sdelay $0x2  }
0x14f: {  	v35 =	vor.u32 $0x17, v49  }
0x150: {  	v39 =	vor.u32 $0x16, v49  }
0x151: {  	v19 =	vor.u32 $0x1B, v49;
	[tilespmem:$0x1FF90] =	vst v1;
	v1 =	vld.idx.msk [tilespmem:v15+s12+$0x0], $0xffff  }
0x152: {  	v43 =	vor.u32 $0x15, v49  }
0x153: {  	v51 =	vor.u32 $0x11, v49  }
0x154: {  	v14 =	vor.u32 $0x10, v49;
	v33 =	vld.idx.msk [tilespmem:v35+s12+$0x0], $0xffff  }
0x155: {  	v16 =	vor.u32 $0xF, v49;
	v37 =	vld.idx.msk [tilespmem:v39+s12+$0x0], $0xffff  }
0x156: {  	v23 =	vor.u32 $0x1A, v49;
	[tilespmem:$0x1FFA0] =	vst v1;
	v1 =	vld.idx.msk [tilespmem:v19+s12+$0x0], $0xffff  }
0x157: {  	v18 =	vor.u32 $0xE, v49;
	v41 =	vld.idx.msk [tilespmem:v43+s12+$0x0], $0xffff  }
0x158: {  	v57 =	vor.u32 $0xD, v49;
	v10 =	vld.idx.msk [tilespmem:v51+s12+$0x0], $0xffff  }
0x159: {  	v59 =	vor.u32 $0xC, v49;
	v12 =	vld.idx.msk [tilespmem:v14+s12+$0x0], $0xffff  }
0x15a: {  	v26 =	vor.u32 $0xB, v49;
	v53 =	vld.idx.msk [tilespmem:v16+s12+$0x0], $0xffff  }
0x15b: {  	v27 =	vor.u32 $0x19, v49;
	[tilespmem:$0x1FFB0] =	vst v1;
	v1 =	vld.idx.msk [tilespmem:v23+s12+$0x0], $0xffff  }
0x15c: {  	v28 =	vor.u32 $0xA, v49;
	v55 =	vld.idx.msk [tilespmem:v18+s12+$0x0], $0xffff  }
0x15d: {  	v30 =	vor.u32 $0x9, v49;
	v20 =	vld.idx.msk [tilespmem:v57+s12+$0x0], $0xffff  }
0x15e: {  	v38 =	vor.u32 $0x6, v49;
	v22 =	vld.idx.msk [tilespmem:v59+s12+$0x0], $0xffff  }
0x15f: {  	v40 =	vor.u32 $0x5, v49;
	v24 =	vld.idx.msk [tilespmem:v26+s12+$0x0], $0xffff  }
0x160: {  	v31 =	vor.u32 $0x18, v49;
	[tilespmem:$0x1FFC0] =	vst v1;
	v1 =	vld.idx.msk [tilespmem:v27+s12+$0x0], $0xffff  }
0x161: {  	v47 =	vor.u32 $0x13, v49;
	v61 =	vld.idx.msk [tilespmem:v28+s12+$0x0], $0xffff  }
0x162: {  	v8 =	vor.u32 $0x12, v49;
	v63 =	vld.idx.msk [tilespmem:v30+s12+$0x0], $0xffff  }
0x163: {  	v36 =	vld.idx.msk [tilespmem:v38+s12+$0x0], $0xffff;
	[tilespmem:$0x1FF10] =	vst v2;
	v2 =	vor.u32 $0x8, v49  }
0x164: {  	v9 =	vld.idx.msk [tilespmem:v40+s12+$0x0], $0xffff;
	[tilespmem:$0x1FED0] =	vst v5;
	v5 =	vor.u32 $0x7, v49  }
0x165: {  	v45 =	vor.u32 $0x14, v49;
	[tilespmem:$0x1FFD0] =	vst v1;
	v1 =	vld.idx.msk [tilespmem:v31+s12+$0x0], $0xffff  }
0x166: {  	[tilespmem:$0x1FE70] =	vst v3;
	v3 =	vld.idx.msk [tilespmem:v47+s12+$0x0], $0xffff  }
0x167: {  	[tilespmem:$0x1FEF0] =	vst v6;
	v6 =	vld.idx.msk [tilespmem:v8+s12+$0x0], $0xffff  }
0x168: {  	v32 =	vld.idx.msk [tilespmem:v2+s12+$0x0], $0xffff  }
0x169: {  	v13 =	vor.u32 $0x4, v49;
	v34 =	vld.idx.msk [tilespmem:v5+s12+$0x0], $0xffff  }
0x16a: {  	s23 =	simm.s32 $0x20;
	s22 =	smov.u32 s18;
	s21 =	smov.u32 s19;
	v42 =	vor.u32 $0x3, v49;
	v44 =	vor.u32 $0x2, v49;
	v17 =	vor.u32 $0x1, v49;
	[tilespmem:$0x1FFE0] =	vst v1;
	v1 =	vld.idx.msk [tilespmem:v45+s12+$0x0], $0xffff  }
.LBB2_3:
0x16b: {  	_ =	sdelay $0x2  }
0x16c: {  	v46 =	vld.idx.msk [tilespmem:v13+s12+$0x0], $0xffff  }
0x16d: {  	v21 =	vld.idx.msk [tilespmem:v42+s12+$0x0], $0xffff  }
0x16e: {  	v48 =	vld.idx.msk [tilespmem:v44+s12+$0x0], $0xffff  }
0x16f: {  	v50 =	vld.idx.msk [tilespmem:v17+s12+$0x0], $0xffff  }
0x170: {  	v25 =	vld.idx.msk [tilespmem:v49+s12+$0x0], $0xffff  }
0x171: {  	v52 =	vld.idx.msk [tilespmem:v49+s11+$0x0], $0xffff  }
0x172: {  	v49 =	vld.idx.msk [tilespmem:v49+s13+$0x0], $0xffff  }
0x173: {  	v29 =	vld.idx.msk [tilespmem:v17+s11+$0x0], $0xffff  }
0x174: {  	v17 =	vld.idx.msk [tilespmem:v17+s13+$0x0], $0xffff  }
0x175: {  	v54 =	vld.idx.msk [tilespmem:v44+s11+$0x0], $0xffff  }
0x176: {  	v44 =	vld.idx.msk [tilespmem:v44+s13+$0x0], $0xffff;
	v25 =	vmul.f32 v25, v52  }
0x177: {  	v56 =	vld.idx.msk [tilespmem:v42+s11+$0x0], $0xffff;
	v49 =	vmul.f32 v49, v52  }
0x178: {  	v42 =	vld.idx.msk [tilespmem:v42+s13+$0x0], $0xffff;
	v50 =	vmul.f32 v50, v29;
	v25 =	vadd.f32 $0.0e+00, v25  }
0x179: {  	v52 =	vld.idx.msk [tilespmem:v13+s11+$0x0], $0xffff;
	v17 =	vmul.f32 v17, v29;
	v49 =	vadd.f32 $0.0e+00, v49  }
0x17a: {  	v13 =	vld.idx.msk [tilespmem:v13+s13+$0x0], $0xffff;
	v29 =	vmul.f32 v48, v54;
	v25 =	vadd.f32 v50, v25  }
0x17b: {  	v48 =	vld.idx.msk [tilespmem:v40+s11+$0x0], $0xffff;
	v44 =	vmul.f32 v44, v54;
	v17 =	vadd.f32 v17, v49  }
0x17c: {  	v40 =	vld.idx.msk [tilespmem:v40+s13+$0x0], $0xffff;
	v21 =	vmul.f32 v21, v56;
	v25 =	vadd.f32 v29, v25  }
0x17d: {  	v42 =	vmul.f32 v42, v56;
	v29 =	vld.idx.msk [tilespmem:v38+s11+$0x0], $0xffff;
	v17 =	vadd.f32 v44, v17  }
0x17e: {  	v49 =	vld.idx.msk [tilespmem:v38+s13+$0x0], $0xffff;
	v21 =	vadd.f32 v21, v25;
	v25 =	vmul.f32 v46, v52  }
0x17f: {  	v50 =	vld.idx.msk [tilespmem:v5+s11+$0x0], $0xffff;
	v13 =	vmul.f32 v13, v52;
	v17 =	vadd.f32 v42, v17  }
0x180: {  	v5 =	vld.idx.msk [tilespmem:v5+s13+$0x0], $0xffff;
	v9 =	vmul.f32 v9, v48;
	v21 =	vadd.f32 v25, v21  }
0x181: {  	v25 =	vld.idx.msk [tilespmem:v2+s11+$0x0], $0xffff;
	v13 =	vadd.f32 v13, v17;
	v17 =	vmul.f32 v40, v48  }
0x182: {  	v2 =	vld.idx.msk [tilespmem:v2+s13+$0x0], $0xffff;
	v9 =	vadd.f32 v9, v21;
	v21 =	vmul.f32 v36, v29  }
0x183: {  	v54 =	vld.idx.msk [tilespmem:v30+s11+$0x0], $0xffff;
	v13 =	vadd.f32 v17, v13;
	v17 =	vmul.f32 v49, v29  }
0x184: {  	v29 =	vld.idx.msk [tilespmem:v30+s13+$0x0], $0xffff;
	v9 =	vadd.f32 v21, v9;
	v21 =	vmul.f32 v34, v50  }
0x185: {  	v5 =	vmul.f32 v5, v50;
	v30 =	vld.idx.msk [tilespmem:v28+s11+$0x0], $0xffff;
	v13 =	vadd.f32 v17, v13  }
0x186: {  	v17 =	vld.idx.msk [tilespmem:v28+s13+$0x0], $0xffff;
	v9 =	vadd.f32 v21, v9;
	v21 =	vmul.f32 v32, v25  }
0x187: {  	v28 =	vld.idx.msk [tilespmem:v26+s11+$0x0], $0xffff;
	v2 =	vmul.f32 v2, v25;
	v5 =	vadd.f32 v5, v13  }
0x188: {  	v13 =	vld.idx.msk [tilespmem:v26+s13+$0x0], $0xffff;
	v9 =	vadd.f32 v21, v9;
	v21 =	vmul.f32 v63, v54  }
0x189: {  	v25 =	vld.idx.msk [tilespmem:v59+s11+$0x0], $0xffff;
	v2 =	vadd.f32 v2, v5;
	v5 =	vmul.f32 v29, v54  }
0x18a: {  	v26 =	vld.idx.msk [tilespmem:v59+s13+$0x0], $0xffff;
	v9 =	vadd.f32 v21, v9;
	v21 =	vmul.f32 v61, v30  }
0x18b: {  	v29 =	vld.idx.msk [tilespmem:v57+s11+$0x0], $0xffff;
	v2 =	vadd.f32 v5, v2;
	v5 =	vmul.f32 v17, v30  }
0x18c: {  	v17 =	vld.idx.msk [tilespmem:v57+s13+$0x0], $0xffff;
	v9 =	vadd.f32 v21, v9;
	v21 =	vmul.f32 v24, v28  }
0x18d: {  	v24 =	vld.idx.msk [tilespmem:v18+s11+$0x0], $0xffff;
	v2 =	vadd.f32 v5, v2;
	v5 =	vmul.f32 v13, v28  }
0x18e: {  	v13 =	vld.idx.msk [tilespmem:v18+s13+$0x0], $0xffff;
	v18 =	vmul.f32 v22, v25;
	v9 =	vadd.f32 v21, v9  }
0x18f: {  	v21 =	vld.idx.msk [tilespmem:v16+s11+$0x0], $0xffff;
	v2 =	vadd.f32 v5, v2;
	v5 =	vmul.f32 v26, v25  }
0x190: {  	v9 =	vadd.f32 v18, v9;
	v18 =	vmul.f32 v20, v29  }
0x191: {  	v20 =	vld.idx.msk [tilespmem:v14+s11+$0x0], $0xffff;
	v2 =	vadd.f32 v5, v2  }
0x192: {  	v16 =	vld.idx.msk [tilespmem:v16+s13+$0x0], $0xffff;
	v5 =	vmul.f32 v17, v29;
	v17 =	vmul.f32 v55, v24;
	v9 =	vadd.f32 v18, v9  }
0x193: {  	v18 =	vld.idx.msk [tilespmem:v51+s11+$0x0], $0xffff  }
0x194: {  	v9 =	vadd.f32 v17, v9;
	v17 =	vmul.f32 v53, v21  }
0x195: {  	v22 =	vld.idx.msk [tilespmem:v8+s11+$0x0], $0xffff;
	v2 =	vadd.f32 v5, v2;
	v5 =	vmul.f32 v13, v24  }
0x196: {  	v12 =	vmul.f32 v12, v20;
	v9 =	vadd.f32 v17, v9  }
0x197: {  	v2 =	vadd.f32 v5, v2;
	v5 =	vmul.f32 v16, v21;
	v16 =	vld.idx.msk [tilespmem:v47+s11+$0x0], $0xffff  }
0x198: {  	v14 =	vld.idx.msk [tilespmem:v14+s13+$0x0], $0xffff;
	v10 =	vmul.f32 v10, v18;
	v9 =	vadd.f32 v12, v9  }
0x199: {  	v12 =	vld.idx.msk [tilespmem:v45+s11+$0x0], $0xffff  }
0x19a: {  	v6 =	vmul.f32 v6, v22;
	v13 =	vld.idx.msk [tilespmem:v51+s13+$0x0], $0xffff;
	v9 =	vadd.f32 v10, v9  }
0x19b: {  	v10 =	vld.idx.msk [tilespmem:v43+s11+$0x0], $0xffff  }
0x19c: {  	v8 =	vld.idx.msk [tilespmem:v8+s13+$0x0], $0xffff;
	v3 =	vmul.f32 v3, v16;
	v6 =	vadd.f32 v6, v9  }
0x19d: {  	v2 =	vadd.f32 v5, v2;
	v5 =	vmul.f32 v14, v20;
	v9 =	vld.idx.msk [tilespmem:v39+s11+$0x0], $0xffff  }
0x19e: {  	v14 =	vld.idx.msk [tilespmem:v47+s13+$0x0], $0xffff;
	v1 =	vmul.f32 v1, v12;
	v3 =	vadd.f32 v3, v6  }
0x19f: {  	v2 =	vadd.f32 v5, v2;
	v5 =	vmul.f32 v13, v18;
	v6 =	vld.idx.msk [tilespmem:v35+s11+$0x0], $0xffff  }
0x1a0: {  	v13 =	vld.idx.msk [tilespmem:v45+s13+$0x0], $0xffff;
	v1 =	vadd.f32 v1, v3;
	v3 =	vmul.f32 v41, v10  }
0x1a1: {  	v2 =	vadd.f32 v5, v2;
	v5 =	vmul.f32 v8, v22  }
0x1a2: {  	v1 =	vadd.f32 v3, v1;
	v3 =	vmul.f32 v37, v9  }
0x1a3: {  	v2 =	vadd.f32 v5, v2;
	v5 =	vmul.f32 v14, v16  }
0x1a4: {  	v1 =	vadd.f32 v3, v1;
	v3 =	vmul.f32 v33, v6  }
0x1a5: {  	v2 =	vadd.f32 v5, v2;
	v5 =	vmul.f32 v13, v12;
	v13 =	vld.idx.msk [tilespmem:v31+s11+$0x0], $0xffff  }
0x1a6: {  	v1 =	vadd.f32 v3, v1;
	v3 =	vld [tilespmem:$0x1FFE0]  }
0x1a7: {  	v8 =	vld.idx.msk [tilespmem:v43+s13+$0x0], $0xffff;
	_ =	sdelay $0x3  }
0x1a8: {  	v3 =	vmul.f32 v3, v13  }
0x1a9: {  	v2 =	vadd.f32 v5, v2;
	v5 =	vmul.f32 v8, v10;
	v10 =	vld.idx.msk [tilespmem:v27+s11+$0x0], $0xffff  }
0x1aa: {  	v1 =	vadd.f32 v3, v1;
	v3 =	vld [tilespmem:$0x1FFD0]  }
0x1ab: {  	v14 =	vld.idx.msk [tilespmem:v39+s13+$0x0], $0xffff;
	_ =	sdelay $0x3  }
0x1ac: {  	v3 =	vmul.f32 v3, v10  }
0x1ad: {  	v2 =	vadd.f32 v5, v2;
	v5 =	vmul.f32 v14, v9;
	v14 =	vld.idx.msk [tilespmem:v23+s11+$0x0], $0xffff  }
0x1ae: {  	v1 =	vadd.f32 v3, v1;
	v3 =	vld [tilespmem:$0x1FFC0]  }
0x1af: {  	v12 =	vld.idx.msk [tilespmem:v35+s13+$0x0], $0xffff;
	_ =	sdelay $0x3  }
0x1b0: {  	v3 =	vmul.f32 v3, v14  }
0x1b1: {  	v2 =	vadd.f32 v5, v2;
	v5 =	vmul.f32 v12, v6;
	v12 =	vld.idx.msk [tilespmem:v19+s11+$0x0], $0xffff  }
0x1b2: {  	v1 =	vadd.f32 v3, v1;
	v3 =	vld [tilespmem:$0x1FFB0]  }
0x1b3: {  	v8 =	vld.idx.msk [tilespmem:v31+s13+$0x0], $0xffff;
	_ =	sdelay $0x3  }
0x1b4: {  	v3 =	vmul.f32 v3, v12  }
0x1b5: {  	v2 =	vadd.f32 v5, v2;
	v5 =	vmul.f32 v8, v13;
	v13 =	vld.idx.msk [tilespmem:v15+s11+$0x0], $0xffff  }
0x1b6: {  	v1 =	vadd.f32 v3, v1;
	v3 =	vld [tilespmem:$0x1FFA0]  }
0x1b7: {  	v9 =	vld.idx.msk [tilespmem:v27+s13+$0x0], $0xffff;
	_ =	sdelay $0x3  }
0x1b8: {  	v6 =	vld.idx.msk [tilespmem:v23+s13+$0x0], $0xffff;
	v3 =	vmul.f32 v3, v13  }
0x1b9: {  	v2 =	vadd.f32 v5, v2;
	v5 =	vmul.f32 v9, v10;
	v10 =	vld.idx.msk [tilespmem:v11+s11+$0x0], $0xffff  }
0x1ba: {  	v1 =	vadd.f32 v3, v1;
	v3 =	vld [tilespmem:$0x1FF90];
	_ =	sdelay $0x4  }
0x1bb: {  	v2 =	vadd.f32 v5, v2;
	v5 =	vmul.f32 v6, v14;
	v6 =	vld.idx.msk [tilespmem:v11+s13+$0x0], $0xffff;
	v3 =	vmul.f32 v3, v10  }
0x1bc: {  	v11 =	vld.idx.msk [tilespmem:v7+s11+$0x0], $0xffff  }
0x1bd: {  	v1 =	vadd.f32 v3, v1;
	v3 =	vld [tilespmem:$0x1FF80]  }
0x1be: {  	v8 =	vld.idx.msk [tilespmem:v19+s13+$0x0], $0xffff;
	_ =	sdelay $0x3  }
0x1bf: {  	v3 =	vmul.f32 v3, v11  }
0x1c0: {  	v2 =	vadd.f32 v5, v2;
	v5 =	vmul.f32 v8, v12;
	v8 =	vld.idx.msk [tilespmem:v4+s11+$0x0], $0xffff  }
0x1c1: {  	v1 =	vadd.f32 v3, v1;
	v3 =	vld [tilespmem:$0x1FF70]  }
0x1c2: {  	v9 =	vld.idx.msk [tilespmem:v15+s13+$0x0], $0xffff;
	_ =	sdelay $0x3  }
0x1c3: {  	v7 =	vld.idx.msk [tilespmem:v7+s13+$0x0], $0xffff;
	v3 =	vmul.f32 v3, v8  }
0x1c4: {  	v2 =	vadd.f32 v5, v2;
	v5 =	vmul.f32 v9, v13;
	v9 =	vld.idx.msk [tilespmem:v0+s11+$0x0], $0xffff  }
0x1c5: {  	v1 =	vadd.f32 v3, v1;
	v3 =	vld [tilespmem:$0x1FF60]  }
0x1c6: {  	v2 =	vadd.f32 v5, v2;
	v5 =	vmul.f32 v6, v10  }
0x1c7: {  	v4 =	vld.idx.msk [tilespmem:v4+s13+$0x0], $0xffff  }
0x1c8: {  	v2 =	vadd.f32 v5, v2;
	v5 =	vmul.f32 v7, v11;
	v11 =	vld [tilespmem:$0x1FF10]  }
0x1c9: {  	v0 =	vld.idx.msk [tilespmem:v0+s13+$0x0], $0xffff  }
0x1ca: {  	v6 =	vld.idx.msk [tilespmem:v62+s11+$0x0], $0xffff;
	v3 =	vmul.f32 v3, v9  }
0x1cb: {  	v7 =	vld.idx.msk [tilespmem:v62+s13+$0x0], $0xffff  }
0x1cc: {  	v1 =	vadd.f32 v3, v1;
	v3 =	vld [tilespmem:$0x1FF50]  }
0x1cd: {  	v4 =	vmul.f32 v4, v8;
	v2 =	vadd.f32 v5, v2;
	_ =	sdelay $0x1  }
0x1ce: {  	v0 =	vmul.f32 v0, v9;
	v2 =	vadd.f32 v4, v2  }
0x1cf: {  	v9 =	vld.idx.msk [tilespmem:v11+s11+$0x0], $0xffff  }
0x1d0: {  	v0 =	vadd.f32 v0, v2;
	v2 =	vmul.f32 v7, v6;
	v3 =	vmul.f32 v3, v6;
	v6 =	vld.idx.msk [tilespmem:v11+s13+$0x0], $0xffff  }
0x1d1: {  	v11 =	vld [tilespmem:$0x1FEF0];
	_ =	sdelay $0x2  }
0x1d2: {  	v5 =	vld.idx.msk [tilespmem:v60+s13+$0x0], $0xffff  }
0x1d3: {  	v10 =	vld.idx.msk [tilespmem:v60+s11+$0x0], $0xffff;
	_ =	sdelay $0x1  }
0x1d4: {  	v1 =	vadd.f32 v3, v1;
	v3 =	vld [tilespmem:$0x1FF40];
	_ =	sdelay $0x1  }
0x1d5: {  	v7 =	vld.idx.msk [tilespmem:v11+s11+$0x0], $0xffff  }
0x1d6: {  	v0 =	vadd.f32 v2, v0;
	v2 =	vmul.f32 v5, v10;
	v5 =	vld.idx.msk [tilespmem:v11+s13+$0x0], $0xffff  }
0x1d7: {  	v11 =	vld [tilespmem:$0x1FED0]  }
0x1d8: {  	v3 =	vmul.f32 v3, v10  }
0x1d9: {  	v8 =	vld.idx.msk [tilespmem:v58+s11+$0x0], $0xffff  }
0x1da: {  	v1 =	vadd.f32 v3, v1;
	v3 =	vld [tilespmem:$0x1FF30]  }
0x1db: {  	v4 =	vld.idx.msk [tilespmem:v58+s13+$0x0], $0xffff;
	_ =	sdelay $0x3  }
0x1dc: {  	v3 =	vmul.f32 v3, v8;
	v10 =	vld.idx.msk [tilespmem:v11+s11+$0x0], $0xffff  }
0x1dd: {  	v0 =	vadd.f32 v2, v0;
	v2 =	vmul.f32 v4, v8;
	v4 =	vld.idx.msk [tilespmem:v11+s13+$0x0], $0xffff  }
0x1de: {  	v1 =	vadd.f32 v3, v1;
	v3 =	vld [tilespmem:$0x1FF20]  }
0x1df: {  	v11 =	vld [tilespmem:$0x1FEB0];
	_ =	sdelay $0x4  }
0x1e0: {  	v3 =	vmul.f32 v3, v9;
	_ =	sdelay $0x1  }
0x1e1: {  	v1 =	vadd.f32 v3, v1;
	v3 =	vld [tilespmem:$0x1FF00]  }
0x1e2: {  	v8 =	vld.idx.msk [tilespmem:v11+s11+$0x0], $0xffff  }
0x1e3: {  	v0 =	vadd.f32 v2, v0;
	v2 =	vmul.f32 v6, v9;
	v6 =	vld.idx.msk [tilespmem:v11+s13+$0x0], $0xffff  }
0x1e4: {  	v11 =	vld [tilespmem:$0x1FE90];
	_ =	sdelay $0x4  }
0x1e5: {  	v3 =	vmul.f32 v3, v7;
	_ =	sdelay $0x1  }
0x1e6: {  	v1 =	vadd.f32 v3, v1;
	v3 =	vld [tilespmem:$0x1FEE0]  }
0x1e7: {  	v9 =	vld.idx.msk [tilespmem:v11+s11+$0x0], $0xffff  }
0x1e8: {  	v0 =	vadd.f32 v2, v0;
	v2 =	vmul.f32 v5, v7;
	v5 =	vld.idx.msk [tilespmem:v11+s13+$0x0], $0xffff  }
0x1e9: {  	v11 =	vld [tilespmem:$0x1FE70];
	_ =	sdelay $0x4  }
0x1ea: {  	v3 =	vmul.f32 v3, v10;
	_ =	sdelay $0x1  }
0x1eb: {  	v1 =	vadd.f32 v3, v1;
	v3 =	vld [tilespmem:$0x1FEC0]  }
0x1ec: {  	v7 =	vld.idx.msk [tilespmem:v11+s11+$0x0], $0xffff  }
0x1ed: {  	v0 =	vadd.f32 v2, v0;
	v2 =	vmul.f32 v4, v10;
	v4 =	vld.idx.msk [tilespmem:v11+s13+$0x0], $0xffff  }
0x1ee: {  	v11 =	vld [tilespmem:$0x1FE50];
	_ =	sdelay $0x4  }
0x1ef: {  	v3 =	vmul.f32 v3, v8;
	_ =	sdelay $0x1  }
0x1f0: {  	v1 =	vadd.f32 v3, v1;
	v3 =	vld [tilespmem:$0x1FEA0]  }
0x1f1: {  	v10 =	vld.idx.msk [tilespmem:v11+s11+$0x0], $0xffff  }
0x1f2: {  	v0 =	vadd.f32 v2, v0;
	v2 =	vmul.f32 v6, v8;
	v6 =	vld.idx.msk [tilespmem:v11+s13+$0x0], $0xffff  }
0x1f3: {  	v11 =	vld [tilespmem:$0x1FE30];
	_ =	sdelay $0x4  }
0x1f4: {  	v3 =	vmul.f32 v3, v9;
	_ =	sdelay $0x1  }
0x1f5: {  	v1 =	vadd.f32 v3, v1;
	v3 =	vld [tilespmem:$0x1FE80]  }
0x1f6: {  	v8 =	vld.idx.msk [tilespmem:v11+s11+$0x0], $0xffff  }
0x1f7: {  	v0 =	vadd.f32 v2, v0;
	v2 =	vmul.f32 v5, v9;
	v5 =	vld.idx.msk [tilespmem:v11+s13+$0x0], $0xffff  }
0x1f8: {  	v11 =	vld [tilespmem:$0x1FE10];
	_ =	sdelay $0x4  }
0x1f9: {  	v3 =	vmul.f32 v3, v7;
	_ =	sdelay $0x1  }
0x1fa: {  	v1 =	vadd.f32 v3, v1;
	v3 =	vld [tilespmem:$0x1FE60]  }
0x1fb: {  	v9 =	vld.idx.msk [tilespmem:v11+s11+$0x0], $0xffff  }
0x1fc: {  	v0 =	vadd.f32 v2, v0;
	v2 =	vmul.f32 v4, v7;
	v4 =	vld.idx.msk [tilespmem:v11+s13+$0x0], $0xffff  }
0x1fd: {  	v11 =	vld [tilespmem:$0x1FDF0];
	_ =	sdelay $0x1  }
0x1fe: {  	v3 =	vmul.f32 v3, v10;
	_ =	sdelay $0x1  }
0x1ff: {  	v1 =	vadd.f32 v3, v1;
	v3 =	vld [tilespmem:$0x1FE40];
	_ =	sdelay $0x3  }
0x200: {  	v7 =	vld.idx.msk [tilespmem:v11+s11+$0x0], $0xffff  }
0x201: {  	v0 =	vadd.f32 v2, v0;
	v2 =	vmul.f32 v6, v10;
	v3 =	vmul.f32 v3, v8;
	v6 =	vld.idx.msk [tilespmem:v11+s13+$0x0], $0xffff  }
0x202: {  	v11 =	vld [tilespmem:$0x1FDD0]  }
0x203: {  	v1 =	vadd.f32 v3, v1;
	v3 =	vld [tilespmem:$0x1FE20];
	_ =	sdelay $0x4  }
0x204: {  	v3 =	vmul.f32 v3, v9;
	_ =	sdelay $0x1  }
0x205: {  	v1 =	vadd.f32 v3, v1;
	v3 =	vld [tilespmem:$0x1FE00]  }
0x206: {  	v10 =	vld.idx.msk [tilespmem:v11+s11+$0x0], $0xffff  }
0x207: {  	v0 =	vadd.f32 v2, v0;
	v2 =	vmul.f32 v5, v8;
	v5 =	vld.idx.msk [tilespmem:v11+s13+$0x0], $0xffff  }
0x208: {  	v11 =	vld [tilespmem:$0x1FDB0];
	_ =	sdelay $0x4  }
0x209: {  	v3 =	vmul.f32 v3, v7;
	_ =	sdelay $0x1  }
0x20a: {  	v1 =	vadd.f32 v3, v1;
	v3 =	vld [tilespmem:$0x1FDE0]  }
0x20b: {  	v8 =	vld.idx.msk [tilespmem:v11+s11+$0x0], $0xffff  }
0x20c: {  	v0 =	vadd.f32 v2, v0;
	v2 =	vmul.f32 v4, v9;
	v4 =	vld.idx.msk [tilespmem:v11+s13+$0x0], $0xffff  }
0x20d: {  	v11 =	vld [tilespmem:$0x1FD90];
	_ =	sdelay $0x4  }
0x20e: {  	v3 =	vmul.f32 v3, v10;
	_ =	sdelay $0x1  }
0x20f: {  	v1 =	vadd.f32 v3, v1;
	v3 =	vld [tilespmem:$0x1FDC0]  }
0x210: {  	v9 =	vld.idx.msk [tilespmem:v11+s11+$0x0], $0xffff  }
0x211: {  	v0 =	vadd.f32 v2, v0;
	v2 =	vmul.f32 v6, v7;
	v6 =	vld.idx.msk [tilespmem:v11+s13+$0x0], $0xffff  }
0x212: {  	v11 =	vld [tilespmem:$0x1FD70];
	_ =	sdelay $0x4  }
0x213: {  	v3 =	vmul.f32 v3, v8;
	_ =	sdelay $0x1  }
0x214: {  	v1 =	vadd.f32 v3, v1;
	v3 =	vld [tilespmem:$0x1FDA0]  }
0x215: {  	v7 =	vld.idx.msk [tilespmem:v11+s11+$0x0], $0xffff  }
0x216: {  	v0 =	vadd.f32 v2, v0;
	v2 =	vmul.f32 v5, v10;
	v5 =	vld.idx.msk [tilespmem:v11+s13+$0x0], $0xffff  }
0x217: {  	v11 =	vld [tilespmem:$0x1FD50];
	_ =	sdelay $0x4  }
0x218: {  	v3 =	vmul.f32 v3, v9;
	_ =	sdelay $0x1  }
0x219: {  	v1 =	vadd.f32 v3, v1;
	v3 =	vld [tilespmem:$0x1FD80]  }
0x21a: {  	v10 =	vld.idx.msk [tilespmem:v11+s11+$0x0], $0xffff  }
0x21b: {  	v0 =	vadd.f32 v2, v0;
	v2 =	vmul.f32 v4, v8;
	v4 =	vld.idx.msk [tilespmem:v11+s13+$0x0], $0xffff  }
0x21c: {  	v11 =	vld [tilespmem:$0x1FD30];
	_ =	sdelay $0x4  }
0x21d: {  	v3 =	vmul.f32 v3, v7;
	_ =	sdelay $0x1  }
0x21e: {  	v1 =	vadd.f32 v3, v1;
	v3 =	vld [tilespmem:$0x1FD60]  }
0x21f: {  	v8 =	vld.idx.msk [tilespmem:v11+s11+$0x0], $0xffff  }
0x220: {  	v0 =	vadd.f32 v2, v0;
	v2 =	vmul.f32 v6, v9;
	v6 =	vld.idx.msk [tilespmem:v11+s13+$0x0], $0xffff  }
0x221: {  	v11 =	vld [tilespmem:$0x1FD10];
	_ =	sdelay $0x1  }
0x222: {  	v3 =	vmul.f32 v3, v10;
	_ =	sdelay $0x1  }
0x223: {  	v1 =	vadd.f32 v3, v1;
	v3 =	vld [tilespmem:$0x1FD40];
	_ =	sdelay $0x3  }
0x224: {  	v9 =	vld.idx.msk [tilespmem:v11+s11+$0x0], $0xffff  }
0x225: {  	v0 =	vadd.f32 v2, v0;
	v2 =	vmul.f32 v5, v7;
	v3 =	vmul.f32 v3, v8;
	v5 =	vld.idx.msk [tilespmem:v11+s13+$0x0], $0xffff  }
0x226: {  	v11 =	vld [tilespmem:$0x1FCF0]  }
0x227: {  	v1 =	vadd.f32 v3, v1;
	v3 =	vld [tilespmem:$0x1FD20];
	_ =	sdelay $0x4  }
0x228: {  	v3 =	vmul.f32 v3, v9;
	_ =	sdelay $0x1  }
0x229: {  	v1 =	vadd.f32 v3, v1;
	v3 =	vld [tilespmem:$0x1FD00]  }
0x22a: {  	v7 =	vld.idx.msk [tilespmem:v11+s11+$0x0], $0xffff  }
0x22b: {  	v0 =	vadd.f32 v2, v0;
	v2 =	vmul.f32 v4, v10;
	v4 =	vld.idx.msk [tilespmem:v11+s13+$0x0], $0xffff  }
0x22c: {  	v11 =	vld [tilespmem:$0x1FCD0];
	_ =	sdelay $0x4  }
0x22d: {  	v3 =	vmul.f32 v3, v7;
	_ =	sdelay $0x1  }
0x22e: {  	v1 =	vadd.f32 v3, v1;
	v3 =	vld [tilespmem:$0x1FCE0]  }
0x22f: {  	v10 =	vld.idx.msk [tilespmem:v11+s11+$0x0], $0xffff  }
0x230: {  	v0 =	vadd.f32 v2, v0;
	v2 =	vmul.f32 v6, v8;
	v6 =	vld.idx.msk [tilespmem:v11+s13+$0x0], $0xffff  }
0x231: {  	v11 =	vld [tilespmem:$0x1FCB0];
	_ =	sdelay $0x4  }
0x232: {  	v3 =	vmul.f32 v3, v10;
	_ =	sdelay $0x1  }
0x233: {  	v1 =	vadd.f32 v3, v1;
	v3 =	vld [tilespmem:$0x1FCC0]  }
0x234: {  	v8 =	vld.idx.msk [tilespmem:v11+s11+$0x0], $0xffff  }
0x235: {  	v0 =	vadd.f32 v2, v0;
	v2 =	vmul.f32 v5, v9;
	v5 =	vld.idx.msk [tilespmem:v11+s13+$0x0], $0xffff  }
0x236: {  	v11 =	vld [tilespmem:$0x1FC90];
	_ =	sdelay $0x4  }
0x237: {  	v3 =	vmul.f32 v3, v8;
	_ =	sdelay $0x1  }
0x238: {  	v1 =	vadd.f32 v3, v1;
	v3 =	vld [tilespmem:$0x1FCA0]  }
0x239: {  	v9 =	vld.idx.msk [tilespmem:v11+s11+$0x0], $0xffff  }
0x23a: {  	v0 =	vadd.f32 v2, v0;
	v2 =	vmul.f32 v4, v7;
	v4 =	vld.idx.msk [tilespmem:v11+s13+$0x0], $0xffff  }
0x23b: {  	v11 =	vld [tilespmem:$0x1FC70];
	_ =	sdelay $0x4  }
0x23c: {  	v3 =	vmul.f32 v3, v9;
	_ =	sdelay $0x1  }
0x23d: {  	v1 =	vadd.f32 v3, v1;
	v3 =	vld [tilespmem:$0x1FC80]  }
0x23e: {  	v7 =	vld.idx.msk [tilespmem:v11+s11+$0x0], $0xffff  }
0x23f: {  	v0 =	vadd.f32 v2, v0;
	v2 =	vmul.f32 v6, v10;
	v6 =	vld.idx.msk [tilespmem:v11+s13+$0x0], $0xffff  }
0x240: {  	v11 =	vld [tilespmem:$0x1FC50];
	_ =	sdelay $0x4  }
0x241: {  	v3 =	vmul.f32 v3, v7;
	_ =	sdelay $0x1  }
0x242: {  	v1 =	vadd.f32 v3, v1;
	v3 =	vld [tilespmem:$0x1FC60]  }
0x243: {  	v10 =	vld.idx.msk [tilespmem:v11+s11+$0x0], $0xffff  }
0x244: {  	v0 =	vadd.f32 v2, v0;
	v2 =	vmul.f32 v5, v8;
	v5 =	vld.idx.msk [tilespmem:v11+s13+$0x0], $0xffff  }
0x245: {  	v11 =	vld [tilespmem:$0x1FC30];
	_ =	sdelay $0x4  }
0x246: {  	v3 =	vmul.f32 v3, v10;
	_ =	sdelay $0x1  }
0x247: {  	v1 =	vadd.f32 v3, v1;
	v3 =	vld [tilespmem:$0x1FC40]  }
0x248: {  	v8 =	vld.idx.msk [tilespmem:v11+s11+$0x0], $0xffff  }
0x249: {  	v0 =	vadd.f32 v2, v0;
	v2 =	vmul.f32 v4, v9;
	v4 =	vld.idx.msk [tilespmem:v11+s13+$0x0], $0xffff  }
0x24a: {  	v11 =	vld [tilespmem:$0x1FC10];
	_ =	sdelay $0x4  }
0x24b: {  	v3 =	vmul.f32 v3, v8;
	_ =	sdelay $0x1  }
0x24c: {  	v1 =	vadd.f32 v3, v1;
	v3 =	vld [tilespmem:$0x1FC20]  }
0x24d: {  	v9 =	vld.idx.msk [tilespmem:v11+s11+$0x0], $0xffff  }
0x24e: {  	v0 =	vadd.f32 v2, v0;
	v2 =	vmul.f32 v6, v7;
	v6 =	vld.idx.msk [tilespmem:v11+s13+$0x0], $0xffff  }
0x24f: {  	v11 =	vld [tilespmem:$0x1FBF0];
	_ =	sdelay $0x4  }
0x250: {  	v3 =	vmul.f32 v3, v9;
	_ =	sdelay $0x1  }
0x251: {  	v1 =	vadd.f32 v3, v1;
	v3 =	vld [tilespmem:$0x1FC00]  }
0x252: {  	v7 =	vld.idx.msk [tilespmem:v11+s11+$0x0], $0xffff  }
0x253: {  	v0 =	vadd.f32 v2, v0;
	v2 =	vmul.f32 v5, v10;
	v5 =	vld.idx.msk [tilespmem:v11+s13+$0x0], $0xffff  }
0x254: {  	v11 =	vld [tilespmem:$0x1FBD0];
	_ =	sdelay $0x4  }
0x255: {  	v3 =	vmul.f32 v3, v7;
	_ =	sdelay $0x1  }
0x256: {  	v1 =	vadd.f32 v3, v1;
	v3 =	vld [tilespmem:$0x1FBE0]  }
0x257: {  	v10 =	vld.idx.msk [tilespmem:v11+s11+$0x0], $0xffff  }
0x258: {  	v0 =	vadd.f32 v2, v0;
	v2 =	vmul.f32 v4, v8;
	v4 =	vld.idx.msk [tilespmem:v11+s13+$0x0], $0xffff  }
0x259: {  	v11 =	vld [tilespmem:$0x1FBB0];
	_ =	sdelay $0x4  }
0x25a: {  	v3 =	vmul.f32 v3, v10  }
0x25b: {  	v56 =	vld [tilespmem:$0x1FFF0]  }
0x25c: {  	v1 =	vadd.f32 v3, v1;
	v3 =	vld [tilespmem:$0x1FBC0]  }
0x25d: {  	v0 =	vadd.f32 v2, v0;
	v2 =	vmul.f32 v6, v9;
	v8 =	vld.idx.msk [tilespmem:v11+s11+$0x0], $0xffff  }
0x25e: {  	v6 =	vld.idx.msk [tilespmem:v11+s13+$0x0], $0xffff  }
0x25f: {  	v0 =	vadd.f32 v2, v0;
	v2 =	vmul.f32 v5, v7  }
0x260: {  	v5 =	vmov s23  }
0x261: {  	v5 =	vshll.u32 v5, $0x6;
	v0 =	vadd.f32 v2, v0;
	v2 =	vmul.f32 v4, v10  }
0x262: {  	v49 =	vor.u32 v56, v5;
	v3 =	vmul.f32 v3, v8  }
0x263: {  	v4 =	vor.u32 $0x3F, v49;
	v0 =	vadd.f32 v2, v0;
	v2 =	vmul.f32 v6, v8  }
0x264: {  	v1 =	vadd.f32 v3, v1  }
0x265: {  	s22 =	sadd.s32 $0x10, s22;
	v0 =	vadd.f32 v2, v0  }
0x266: {  	s21 =	sadd.s32 $0x10, s21;
	[tilespmem:s22+$0x0] =	vst v1  }
0x267: {  	[tilespmem:s21+$0x0] =	vst v0  }
0x268: {  	v5 =	vor.u32 $0x3E, v49;
	v0 =	vld.idx.msk [tilespmem:v4+s12+$0x0], $0xffff;
	_ =	sdelay $0x4  }
0x269: {  	v3 =	vor.u32 $0x3D, v49;
	[tilespmem:$0x1FBC0] =	vst v0;
	v0 =	vld.idx.msk [tilespmem:v5+s12+$0x0], $0xffff;
	_ =	sdelay $0x4  }
0x26a: {  	v2 =	vor.u32 $0x3C, v49;
	[tilespmem:$0x1FBE0] =	vst v0;
	v0 =	vld.idx.msk [tilespmem:v3+s12+$0x0], $0xffff;
	_ =	sdelay $0x4  }
0x26b: {  	v1 =	vor.u32 $0x3B, v49;
	[tilespmem:$0x1FC00] =	vst v0;
	v0 =	vld.idx.msk [tilespmem:v2+s12+$0x0], $0xffff;
	_ =	sdelay $0x4  }
0x26c: {  	v6 =	vor.u32 $0x3A, v49;
	[tilespmem:$0x1FC20] =	vst v0;
	v0 =	vld.idx.msk [tilespmem:v1+s12+$0x0], $0xffff;
	_ =	sdelay $0x3  }
0x26d: {  	[tilespmem:$0x1FBB0] =	vst v4  }
0x26e: {  	v4 =	vor.u32 $0x39, v49;
	[tilespmem:$0x1FC40] =	vst v0;
	v0 =	vld.idx.msk [tilespmem:v6+s12+$0x0], $0xffff;
	_ =	sdelay $0x3  }
0x26f: {  	[tilespmem:$0x1FBD0] =	vst v5  }
0x270: {  	v5 =	vor.u32 $0x38, v49;
	[tilespmem:$0x1FC60] =	vst v0;
	v0 =	vld.idx.msk [tilespmem:v4+s12+$0x0], $0xffff;
	_ =	sdelay $0x3  }
0x271: {  	[tilespmem:$0x1FBF0] =	vst v3  }
0x272: {  	v3 =	vor.u32 $0x37, v49;
	[tilespmem:$0x1FC80] =	vst v0;
	v0 =	vld.idx.msk [tilespmem:v5+s12+$0x0], $0xffff;
	_ =	sdelay $0x3  }
0x273: {  	[tilespmem:$0x1FC10] =	vst v2  }
0x274: {  	v2 =	vor.u32 $0x36, v49;
	[tilespmem:$0x1FCA0] =	vst v0;
	v0 =	vld.idx.msk [tilespmem:v3+s12+$0x0], $0xffff;
	_ =	sdelay $0x3  }
0x275: {  	[tilespmem:$0x1FC30] =	vst v1  }
0x276: {  	v1 =	vor.u32 $0x35, v49;
	[tilespmem:$0x1FCC0] =	vst v0;
	v0 =	vld.idx.msk [tilespmem:v2+s12+$0x0], $0xffff;
	_ =	sdelay $0x3  }
0x277: {  	[tilespmem:$0x1FC50] =	vst v6  }
0x278: {  	v6 =	vor.u32 $0x34, v49;
	[tilespmem:$0x1FCE0] =	vst v0;
	v0 =	vld.idx.msk [tilespmem:v1+s12+$0x0], $0xffff;
	_ =	sdelay $0x3  }
0x279: {  	[tilespmem:$0x1FC70] =	vst v4  }
0x27a: {  	v4 =	vor.u32 $0x33, v49;
	[tilespmem:$0x1FD00] =	vst v0;
	v0 =	vld.idx.msk [tilespmem:v6+s12+$0x0], $0xffff;
	_ =	sdelay $0x3  }
0x27b: {  	[tilespmem:$0x1FC90] =	vst v5  }
0x27c: {  	v5 =	vor.u32 $0x32, v49;
	[tilespmem:$0x1FD20] =	vst v0;
	v0 =	vld.idx.msk [tilespmem:v4+s12+$0x0], $0xffff;
	_ =	sdelay $0x3  }
0x27d: {  	[tilespmem:$0x1FCB0] =	vst v3  }
0x27e: {  	v3 =	vor.u32 $0x31, v49;
	[tilespmem:$0x1FD40] =	vst v0;
	v0 =	vld.idx.msk [tilespmem:v5+s12+$0x0], $0xffff;
	_ =	sdelay $0x3  }
0x27f: {  	[tilespmem:$0x1FCD0] =	vst v2  }
0x280: {  	v2 =	vor.u32 $0x30, v49;
	[tilespmem:$0x1FD60] =	vst v0;
	v0 =	vld.idx.msk [tilespmem:v3+s12+$0x0], $0xffff;
	_ =	sdelay $0x3  }
0x281: {  	[tilespmem:$0x1FCF0] =	vst v1  }
0x282: {  	v1 =	vor.u32 $0x2F, v49;
	[tilespmem:$0x1FD80] =	vst v0;
	v0 =	vld.idx.msk [tilespmem:v2+s12+$0x0], $0xffff;
	_ =	sdelay $0x3  }
0x283: {  	[tilespmem:$0x1FD10] =	vst v6  }
0x284: {  	v6 =	vor.u32 $0x2E, v49;
	[tilespmem:$0x1FDA0] =	vst v0;
	v0 =	vld.idx.msk [tilespmem:v1+s12+$0x0], $0xffff;
	_ =	sdelay $0x3  }
0x285: {  	[tilespmem:$0x1FD30] =	vst v4  }
0x286: {  	v4 =	vor.u32 $0x2D, v49;
	[tilespmem:$0x1FDC0] =	vst v0;
	v0 =	vld.idx.msk [tilespmem:v6+s12+$0x0], $0xffff;
	_ =	sdelay $0x3  }
0x287: {  	[tilespmem:$0x1FD50] =	vst v5  }
0x288: {  	v5 =	vor.u32 $0x2C, v49;
	[tilespmem:$0x1FDE0] =	vst v0;
	v0 =	vld.idx.msk [tilespmem:v4+s12+$0x0], $0xffff;
	_ =	sdelay $0x3  }
0x289: {  	[tilespmem:$0x1FD70] =	vst v3  }
0x28a: {  	v3 =	vor.u32 $0x2B, v49;
	[tilespmem:$0x1FE00] =	vst v0;
	v0 =	vld.idx.msk [tilespmem:v5+s12+$0x0], $0xffff;
	_ =	sdelay $0x3  }
0x28b: {  	[tilespmem:$0x1FD90] =	vst v2  }
0x28c: {  	v2 =	vor.u32 $0x2A, v49;
	[tilespmem:$0x1FE20] =	vst v0;
	v0 =	vld.idx.msk [tilespmem:v3+s12+$0x0], $0xffff;
	_ =	sdelay $0x3  }
0x28d: {  	[tilespmem:$0x1FDB0] =	vst v1  }
0x28e: {  	v1 =	vor.u32 $0x29, v49;
	[tilespmem:$0x1FE40] =	vst v0;
	v0 =	vld.idx.msk [tilespmem:v2+s12+$0x0], $0xffff  }
0x28f: {  	[tilespmem:$0x1FE30] =	vst v3;
	v3 =	vor.u32 $0x25, v49;
	_ =	sdelay $0x1  }
0x290: {  	[tilespmem:$0x1FDD0] =	vst v6  }
0x291: {  	[tilespmem:$0x1FE50] =	vst v2  }
0x292: {  	v6 =	vor.u32 $0x28, v49;
	[tilespmem:$0x1FE60] =	vst v0;
	v0 =	vld.idx.msk [tilespmem:v1+s12+$0x0], $0xffff  }
0x293: {  	[tilespmem:$0x1FE70] =	vst v1;
	v2 =	vor.u32 $0x24, v49;
	v1 =	vld.idx.msk [tilespmem:v3+s12+$0x0], $0xffff;
	_ =	sdelay $0x2  }
0x294: {  	[tilespmem:$0x1FDF0] =	vst v4  }
0x295: {  	v4 =	vor.u32 $0x27, v49;
	[tilespmem:$0x1FE80] =	vst v0;
	v0 =	vld.idx.msk [tilespmem:v6+s12+$0x0], $0xffff  }
0x296: {  	v58 =	vor.u32 $0x23, v49;
	[tilespmem:$0x1FF00] =	vst v1;
	v1 =	vld.idx.msk [tilespmem:v2+s12+$0x0], $0xffff;
	_ =	sdelay $0x2  }
0x297: {  	[tilespmem:$0x1FE10] =	vst v5  }
0x298: {  	v5 =	vor.u32 $0x26, v49;
	[tilespmem:$0x1FEA0] =	vst v0;
	v0 =	vld.idx.msk [tilespmem:v4+s12+$0x0], $0xffff  }
0x299: {  	v60 =	vor.u32 $0x22, v49;
	[tilespmem:$0x1FF20] =	vst v1;
	v1 =	vld.idx.msk [tilespmem:v58+s12+$0x0], $0xffff;
	_ =	sdelay $0x3  }
0x29a: {  	[tilespmem:$0x1FEC0] =	vst v0;
	v0 =	vld.idx.msk [tilespmem:v5+s12+$0x0], $0xffff  }
0x29b: {  	v62 =	vor.u32 $0x21, v49;
	[tilespmem:$0x1FF30] =	vst v1;
	v1 =	vld.idx.msk [tilespmem:v60+s12+$0x0], $0xffff;
	_ =	sdelay $0x3  }
0x29c: {  	[tilespmem:$0x1FEE0] =	vst v0  }
0x29d: {  	v0 =	vor.u32 $0x20, v49;
	[tilespmem:$0x1FF40] =	vst v1;
	v1 =	vld.idx.msk [tilespmem:v62+s12+$0x0], $0xffff;
	_ =	sdelay $0x3  }
0x29e: {  	[tilespmem:$0x1FEB0] =	vst v4  }
0x29f: {  	v4 =	vor.u32 $0x1F, v49;
	[tilespmem:$0x1FF50] =	vst v1;
	v1 =	vld.idx.msk [tilespmem:v0+s12+$0x0], $0xffff;
	_ =	sdelay $0x4  }
0x2a0: {  	v7 =	vor.u32 $0x1E, v49;
	[tilespmem:$0x1FF60] =	vst v1;
	v1 =	vld.idx.msk [tilespmem:v4+s12+$0x0], $0xffff;
	_ =	sdelay $0x4  }
0x2a1: {  	v11 =	vor.u32 $0x1D, v49;
	[tilespmem:$0x1FF70] =	vst v1;
	v1 =	vld.idx.msk [tilespmem:v7+s12+$0x0], $0xffff;
	_ =	sdelay $0x4  }
0x2a2: {  	v15 =	vor.u32 $0x1C, v49;
	[tilespmem:$0x1FF80] =	vst v1;
	v1 =	vld.idx.msk [tilespmem:v11+s12+$0x0], $0xffff;
	_ =	sdelay $0x2  }
0x2a3: {  	v35 =	vor.u32 $0x17, v49  }
0x2a4: {  	v39 =	vor.u32 $0x16, v49  }
0x2a5: {  	v19 =	vor.u32 $0x1B, v49;
	[tilespmem:$0x1FF90] =	vst v1;
	v1 =	vld.idx.msk [tilespmem:v15+s12+$0x0], $0xffff  }
0x2a6: {  	v43 =	vor.u32 $0x15, v49  }
0x2a7: {  	v51 =	vor.u32 $0x11, v49  }
0x2a8: {  	v14 =	vor.u32 $0x10, v49;
	v33 =	vld.idx.msk [tilespmem:v35+s12+$0x0], $0xffff  }
0x2a9: {  	v16 =	vor.u32 $0xF, v49;
	v37 =	vld.idx.msk [tilespmem:v39+s12+$0x0], $0xffff  }
0x2aa: {  	v23 =	vor.u32 $0x1A, v49;
	[tilespmem:$0x1FFA0] =	vst v1;
	v1 =	vld.idx.msk [tilespmem:v19+s12+$0x0], $0xffff  }
0x2ab: {  	v18 =	vor.u32 $0xE, v49;
	v41 =	vld.idx.msk [tilespmem:v43+s12+$0x0], $0xffff  }
0x2ac: {  	v57 =	vor.u32 $0xD, v49;
	v10 =	vld.idx.msk [tilespmem:v51+s12+$0x0], $0xffff  }
0x2ad: {  	v59 =	vor.u32 $0xC, v49;
	v12 =	vld.idx.msk [tilespmem:v14+s12+$0x0], $0xffff  }
0x2ae: {  	v26 =	vor.u32 $0xB, v49;
	v53 =	vld.idx.msk [tilespmem:v16+s12+$0x0], $0xffff  }
0x2af: {  	v27 =	vor.u32 $0x19, v49;
	[tilespmem:$0x1FFB0] =	vst v1;
	v1 =	vld.idx.msk [tilespmem:v23+s12+$0x0], $0xffff  }
0x2b0: {  	v28 =	vor.u32 $0xA, v49;
	v55 =	vld.idx.msk [tilespmem:v18+s12+$0x0], $0xffff  }
0x2b1: {  	v30 =	vor.u32 $0x9, v49;
	v20 =	vld.idx.msk [tilespmem:v57+s12+$0x0], $0xffff  }
0x2b2: {  	v38 =	vor.u32 $0x6, v49;
	v22 =	vld.idx.msk [tilespmem:v59+s12+$0x0], $0xffff  }
0x2b3: {  	v40 =	vor.u32 $0x5, v49;
	v24 =	vld.idx.msk [tilespmem:v26+s12+$0x0], $0xffff  }
0x2b4: {  	v31 =	vor.u32 $0x18, v49;
	[tilespmem:$0x1FFC0] =	vst v1;
	v1 =	vld.idx.msk [tilespmem:v27+s12+$0x0], $0xffff  }
0x2b5: {  	v47 =	vor.u32 $0x13, v49;
	v61 =	vld.idx.msk [tilespmem:v28+s12+$0x0], $0xffff  }
0x2b6: {  	v8 =	vor.u32 $0x12, v49;
	v63 =	vld.idx.msk [tilespmem:v30+s12+$0x0], $0xffff  }
0x2b7: {  	v36 =	vld.idx.msk [tilespmem:v38+s12+$0x0], $0xffff;
	[tilespmem:$0x1FF10] =	vst v2;
	v2 =	vor.u32 $0x8, v49  }
0x2b8: {  	v9 =	vld.idx.msk [tilespmem:v40+s12+$0x0], $0xffff;
	[tilespmem:$0x1FED0] =	vst v5;
	v5 =	vor.u32 $0x7, v49  }
0x2b9: {  	p0 =	sne.s32 s23, $0x70;
	v45 =	vor.u32 $0x14, v49;
	[tilespmem:$0x1FFD0] =	vst v1;
	v1 =	vld.idx.msk [tilespmem:v31+s12+$0x0], $0xffff  }
.Ltmp0:
0x2ba: {  	[tilespmem:$0x1FEF0] =	vst v3;
	v3 =	vld.idx.msk [tilespmem:v47+s12+$0x0], $0xffff;
	(pc) =	sbr.rel @p0 .LBB2_3-.Ltmp0, $4  }
0x2bb: {  	[tilespmem:$0x1FE90] =	vst v6;
	v6 =	vld.idx.msk [tilespmem:v8+s12+$0x0], $0xffff  }
0x2bc: {  	v32 =	vld.idx.msk [tilespmem:v2+s12+$0x0], $0xffff  }
0x2bd: {  	v13 =	vor.u32 $0x4, v49;
	v34 =	vld.idx.msk [tilespmem:v5+s12+$0x0], $0xffff  }
0x2be: {  	s23 =	sadd.s32 $0x10, s23;
	v42 =	vor.u32 $0x3, v49;
	v44 =	vor.u32 $0x2, v49;
	v17 =	vor.u32 $0x1, v49;
	[tilespmem:$0x1FFE0] =	vst v1;
	v1 =	vld.idx.msk [tilespmem:v45+s12+$0x0], $0xffff  }
0x2bf: {  	_ =	sdelay $0x3  }
0x2c0: {  	v21 =	vld.idx.msk [tilespmem:v49+s12+$0x0], $0xffff  }
0x2c1: {  	v25 =	vld.idx.msk [tilespmem:v49+s11+$0x0], $0xffff  }
0x2c2: {  	v29 =	vld.idx.msk [tilespmem:v49+s13+$0x0], $0xffff  }
0x2c3: {  	v46 =	vld.idx.msk [tilespmem:v17+s12+$0x0], $0xffff  }
0x2c4: {  	v48 =	vld.idx.msk [tilespmem:v17+s11+$0x0], $0xffff  }
0x2c5: {  	v17 =	vld.idx.msk [tilespmem:v17+s13+$0x0], $0xffff  }
0x2c6: {  	v49 =	vld.idx.msk [tilespmem:v44+s12+$0x0], $0xffff  }
0x2c7: {  	v50 =	vld.idx.msk [tilespmem:v44+s11+$0x0], $0xffff  }
0x2c8: {  	v44 =	vld.idx.msk [tilespmem:v44+s13+$0x0], $0xffff  }
0x2c9: {  	v52 =	vld.idx.msk [tilespmem:v42+s12+$0x0], $0xffff  }
0x2ca: {  	v54 =	vld.idx.msk [tilespmem:v42+s11+$0x0], $0xffff  }
0x2cb: {  	v21 =	vmul.f32 v21, v25;
	v25 =	vmul.f32 v29, v25;
	v29 =	vld.idx.msk [tilespmem:v42+s13+$0x0], $0xffff  }
0x2cc: {  	v42 =	vmul.f32 v46, v48;
	v46 =	vld.idx.msk [tilespmem:v13+s12+$0x0], $0xffff  }
0x2cd: {  	v17 =	vmul.f32 v17, v48;
	v48 =	vld.idx.msk [tilespmem:v13+s11+$0x0], $0xffff  }
0x2ce: {  	v13 =	vld.idx.msk [tilespmem:v13+s13+$0x0], $0xffff  }
0x2cf: {  	v49 =	vmul.f32 v49, v50;
	v50 =	vmul.f32 v44, v50;
	v44 =	vld.idx.msk [tilespmem:v40+s11+$0x0], $0xffff;
	v25 =	vadd.f32 $0.0e+00, v25  }
0x2d0: {  	v40 =	vld.idx.msk [tilespmem:v40+s13+$0x0], $0xffff  }
0x2d1: {  	v21 =	vadd.f32 $0.0e+00, v21;
	v17 =	vadd.f32 v17, v25;
	v25 =	vld.idx.msk [tilespmem:v5+s11+$0x0], $0xffff  }
0x2d2: {  	v5 =	vld.idx.msk [tilespmem:v5+s13+$0x0], $0xffff  }
0x2d3: {  	v21 =	vadd.f32 v42, v21;
	v42 =	vld.idx.msk [tilespmem:v28+s11+$0x0], $0xffff  }
0x2d4: {  	v17 =	vadd.f32 v50, v17;
	v50 =	vmul.f32 v29, v54;
	v29 =	vld.idx.msk [tilespmem:v38+s11+$0x0], $0xffff  }
0x2d5: {  	v21 =	vadd.f32 v49, v21;
	v49 =	vmul.f32 v52, v54;
	v52 =	vld.idx.msk [tilespmem:v38+s13+$0x0], $0xffff  }
0x2d6: {  	v13 =	vmul.f32 v13, v48;
	v54 =	vmul.f32 v46, v48;
	v48 =	vld.idx.msk [tilespmem:v2+s11+$0x0], $0xffff  }
0x2d7: {  	v9 =	vmul.f32 v9, v44;
	v46 =	vmul.f32 v40, v44;
	v44 =	vld.idx.msk [tilespmem:v28+s13+$0x0], $0xffff  }
0x2d8: {  	v40 =	vld.idx.msk [tilespmem:v18+s11+$0x0], $0xffff  }
0x2d9: {  	v21 =	vadd.f32 v49, v21;
	v49 =	vld.idx.msk [tilespmem:v2+s13+$0x0], $0xffff  }
0x2da: {  	v38 =	vmul.f32 v34, v25;
	v34 =	vld.idx.msk [tilespmem:v57+s11+$0x0], $0xffff  }
0x2db: {  	v17 =	vadd.f32 v50, v17;
	v5 =	vmul.f32 v5, v25;
	v25 =	vld.idx.msk [tilespmem:v47+s11+$0x0], $0xffff  }
0x2dc: {  	v21 =	vadd.f32 v54, v21;
	v54 =	vld.idx.msk [tilespmem:v30+s11+$0x0], $0xffff  }
0x2dd: {  	v13 =	vadd.f32 v13, v17;
	v17 =	vld [tilespmem:$0x1FFD0]  }
0x2de: {  	v50 =	vmul.f32 v36, v29;
	v36 =	vld.idx.msk [tilespmem:v30+s13+$0x0], $0xffff  }
0x2df: {  	v52 =	vmul.f32 v52, v29;
	v29 =	vld.idx.msk [tilespmem:v45+s11+$0x0], $0xffff  }
0x2e0: {  	v30 =	vld.idx.msk [tilespmem:v45+s13+$0x0], $0xffff  }
0x2e1: {  	v45 =	vld.idx.msk [tilespmem:v35+s13+$0x0], $0xffff  }
0x2e2: {  	v9 =	vadd.f32 v9, v21;
	v21 =	vld.idx.msk [tilespmem:v8+s11+$0x0], $0xffff  }
0x2e3: {  	v13 =	vadd.f32 v46, v13;
	v46 =	vmul.f32 v32, v48;
	v2 =	vmul.f32 v49, v48;
	v48 =	vld.idx.msk [tilespmem:v26+s11+$0x0], $0xffff  }
0x2e4: {  	v49 =	vld.idx.msk [tilespmem:v26+s13+$0x0], $0xffff  }
0x2e5: {  	v32 =	vmul.f32 v44, v42;
	v26 =	vld.idx.msk [tilespmem:v47+s13+$0x0], $0xffff  }
0x2e6: {  	v9 =	vadd.f32 v50, v9;
	v50 =	vmul.f32 v63, v54;
	v63 =	vmul.f32 v61, v42;
	v42 =	vld.idx.msk [tilespmem:v18+s13+$0x0], $0xffff  }
0x2e7: {  	v13 =	vadd.f32 v52, v13;
	v52 =	vmul.f32 v36, v54;
	v54 =	vld.idx.msk [tilespmem:v59+s11+$0x0], $0xffff  }
0x2e8: {  	v59 =	vld.idx.msk [tilespmem:v59+s13+$0x0], $0xffff  }
0x2e9: {  	v9 =	vadd.f32 v38, v9;
	v36 =	vld.idx.msk [tilespmem:v57+s13+$0x0], $0xffff  }
0x2ea: {  	v57 =	vld.idx.msk [tilespmem:v51+s11+$0x0], $0xffff  }
0x2eb: {  	v5 =	vadd.f32 v5, v13;
	v9 =	vadd.f32 v46, v9;
	v46 =	vld.idx.msk [tilespmem:v16+s11+$0x0], $0xffff  }
0x2ec: {  	v24 =	vmul.f32 v24, v48;
	v38 =	vmul.f32 v49, v48;
	v48 =	vld.idx.msk [tilespmem:v16+s13+$0x0], $0xffff  }
0x2ed: {  	v2 =	vadd.f32 v2, v5;
	v16 =	vld.idx.msk [tilespmem:v19+s13+$0x0], $0xffff  }
0x2ee: {  	v9 =	vadd.f32 v50, v9;
	v50 =	vld.idx.msk [tilespmem:v14+s11+$0x0], $0xffff  }
0x2ef: {  	v2 =	vadd.f32 v52, v2;
	v52 =	vld.idx.msk [tilespmem:v14+s13+$0x0], $0xffff  }
0x2f0: {  	v44 =	vmul.f32 v59, v54;
	v59 =	vld.idx.msk [tilespmem:v51+s13+$0x0], $0xffff  }
0x2f1: {  	v20 =	vmul.f32 v20, v34;
	v49 =	vmul.f32 v36, v34;
	v34 =	vld.idx.msk [tilespmem:v43+s11+$0x0], $0xffff  }
0x2f2: {  	v22 =	vmul.f32 v22, v54;
	v36 =	vld.idx.msk [tilespmem:v43+s13+$0x0], $0xffff  }
0x2f3: {  	v54 =	vmul.f32 v55, v40;
	v55 =	vmul.f32 v42, v40;
	v40 =	vld.idx.msk [tilespmem:v39+s11+$0x0], $0xffff  }
0x2f4: {  	v42 =	vld.idx.msk [tilespmem:v39+s13+$0x0], $0xffff  }
0x2f5: {  	v1 =	vmul.f32 v1, v29;
	v43 =	vmul.f32 v30, v29;
	v29 =	vld [tilespmem:$0x1FFA0]  }
0x2f6: {  	v39 =	vld.idx.msk [tilespmem:v62+s11+$0x0], $0xffff  }
0x2f7: {  	v9 =	vadd.f32 v63, v9;
	v2 =	vadd.f32 v32, v2;
	v63 =	vmul.f32 v48, v46;
	v48 =	vld.idx.msk [tilespmem:v31+s11+$0x0], $0xffff  }
0x2f8: {  	v61 =	vmul.f32 v53, v46;
	v53 =	vld.idx.msk [tilespmem:v27+s13+$0x0], $0xffff  }
0x2f9: {  	v3 =	vmul.f32 v3, v25;
	v2 =	vadd.f32 v38, v2;
	v38 =	vmul.f32 v26, v25;
	v25 =	vld [tilespmem:$0x1FFB0]  }
0x2fa: {  	v9 =	vadd.f32 v24, v9;
	v24 =	vmul.f32 v52, v50;
	v52 =	vld.idx.msk [tilespmem:v27+s11+$0x0], $0xffff  }
0x2fb: {  	v27 =	vld.idx.msk [tilespmem:v7+s11+$0x0], $0xffff  }
0x2fc: {  	v9 =	vadd.f32 v22, v9;
	v22 =	vld.idx.msk [tilespmem:v8+s13+$0x0], $0xffff  }
0x2fd: {  	v2 =	vadd.f32 v44, v2;
	v44 =	vld.idx.msk [tilespmem:v35+s11+$0x0], $0xffff  }
0x2fe: {  	v10 =	vmul.f32 v10, v57;
	v28 =	vmul.f32 v59, v57;
	v57 =	vld.idx.msk [tilespmem:v23+s13+$0x0], $0xffff  }
0x2ff: {  	v59 =	vld [tilespmem:$0x1FFE0]  }
0x300: {  	v35 =	vld.idx.msk [tilespmem:v0+s11+$0x0], $0xffff  }
0x301: {  	v47 =	vmul.f32 v36, v34;
	v36 =	vld.idx.msk [tilespmem:v0+s13+$0x0], $0xffff  }
0x302: {  	v12 =	vmul.f32 v12, v50;
	v50 =	vmul.f32 v37, v40;
	v37 =	vld [tilespmem:$0x1FF80]  }
0x303: {  	v51 =	vmul.f32 v42, v40;
	v40 =	vld.idx.msk [tilespmem:v62+s13+$0x0], $0xffff  }
0x304: {  	v46 =	vmul.f32 v41, v34;
	v41 =	vld [tilespmem:$0x1FF70]  }
0x305: {  	v2 =	vadd.f32 v49, v2;
	v49 =	vld.idx.msk [tilespmem:v31+s13+$0x0], $0xffff  }
0x306: {  	v9 =	vadd.f32 v20, v9;
	v20 =	vld.idx.msk [tilespmem:v15+s13+$0x0], $0xffff  }
0x307: {  	v31 =	vld.idx.msk [tilespmem:v4+s11+$0x0], $0xffff  }
0x308: {  	v2 =	vadd.f32 v55, v2;
	v55 =	vld.idx.msk [tilespmem:v23+s11+$0x0], $0xffff  }
0x309: {  	v23 =	vld.idx.msk [tilespmem:v11+s11+$0x0], $0xffff  }
0x30a: {  	v6 =	vmul.f32 v6, v21;
	v32 =	vmul.f32 v22, v21;
	v21 =	vld [tilespmem:$0x1FFC0]  }
0x30b: {  	v9 =	vadd.f32 v54, v9;
	v54 =	vmul.f32 v33, v44;
	v33 =	vld [tilespmem:$0x1FF90]  }
0x30c: {  	v13 =	vmul.f32 v59, v48;
	v59 =	vld [tilespmem:$0x1FED0]  }
0x30d: {  	v2 =	vadd.f32 v63, v2;
	v63 =	vld.idx.msk [tilespmem:v19+s11+$0x0], $0xffff  }
0x30e: {  	v19 =	vld.idx.msk [tilespmem:v15+s11+$0x0], $0xffff  }
0x30f: {  	v15 =	vld [tilespmem:$0x1FE90]  }
0x310: {  	v9 =	vadd.f32 v61, v9;
	v61 =	vmul.f32 v49, v48;
	v48 =	vld [tilespmem:$0x1FF50]  }
0x311: {  	v2 =	vadd.f32 v24, v2;
	v24 =	vld.idx.msk [tilespmem:v11+s13+$0x0], $0xffff  }
0x312: {  	v22 =	vmul.f32 v57, v55;
	v57 =	vld [tilespmem:$0x1FF30]  }
0x313: {  	v9 =	vadd.f32 v12, v9;
	v2 =	vadd.f32 v28, v2;
	v28 =	vld.idx.msk [tilespmem:v7+s13+$0x0], $0xffff  }
0x314: {  	v11 =	vmul.f32 v25, v63;
	v26 =	vmul.f32 v16, v63;
	v63 =	vld [tilespmem:$0x1FEB0]  }
0x315: {  	v9 =	vadd.f32 v10, v9;
	v25 =	vld [tilespmem:$0x1FEA0]  }
0x316: {  	v2 =	vadd.f32 v32, v2;
	v32 =	vld.idx.msk [tilespmem:v4+s13+$0x0], $0xffff  }
0x317: {  	v30 =	vmul.f32 v20, v19;
	v6 =	vadd.f32 v6, v9;
	v9 =	vmul.f32 v29, v19;
	v19 =	vld [tilespmem:$0x1FE70]  }
0x318: {  	v29 =	vld [tilespmem:$0x1FE80]  }
0x319: {  	v5 =	vld.idx.msk [tilespmem:v59+s13+$0x0], $0xffff;
	v2 =	vadd.f32 v38, v2  }
0x31a: {  	v3 =	vadd.f32 v3, v6;
	v16 =	vld.idx.msk [tilespmem:v15+s11+$0x0], $0xffff  }
0x31b: {  	v2 =	vadd.f32 v43, v2;
	v43 =	vld.idx.msk [tilespmem:v60+s11+$0x0], $0xffff  }
0x31c: {  	v1 =	vadd.f32 v1, v3;
	v3 =	vmul.f32 v45, v44;
	v44 =	vld.idx.msk [tilespmem:v60+s13+$0x0], $0xffff  }
0x31d: {  	v45 =	vld [tilespmem:$0x1FF60]  }
0x31e: {  	v60 =	vld.idx.msk [tilespmem:v59+s11+$0x0], $0xffff  }
0x31f: {  	v1 =	vadd.f32 v46, v1;
	v46 =	vld.idx.msk [tilespmem:v58+s11+$0x0], $0xffff  }
0x320: {  	v2 =	vadd.f32 v47, v2;
	v47 =	vld.idx.msk [tilespmem:v58+s13+$0x0], $0xffff  }
0x321: {  	v12 =	vld.idx.msk [tilespmem:v63+s11+$0x0], $0xffff  }
0x322: {  	v1 =	vadd.f32 v50, v1;
	v50 =	vld [tilespmem:$0x1FF10]  }
0x323: {  	v2 =	vadd.f32 v51, v2;
	v20 =	vld.idx.msk [tilespmem:v19+s11+$0x0], $0xffff  }
0x324: {  	v1 =	vadd.f32 v54, v1;
	v54 =	vld [tilespmem:$0x1FEF0]  }
0x325: {  	v2 =	vadd.f32 v3, v2;
	v58 =	vmul.f32 v47, v46;
	v47 =	vld [tilespmem:$0x1FD90]  }
0x326: {  	v18 =	vmul.f32 v53, v52;
	v1 =	vadd.f32 v13, v1;
	v13 =	vmul.f32 v17, v52;
	v52 =	vld [tilespmem:$0x1FF40]  }
0x327: {  	v2 =	vadd.f32 v61, v2;
	v61 =	vld [tilespmem:$0x1FF20]  }
0x328: {  	v17 =	vld [tilespmem:$0x1FEE0]  }
0x329: {  	v2 =	vadd.f32 v18, v2;
	v18 =	vmul.f32 v5, v60;
	v5 =	vld.idx.msk [tilespmem:v19+s13+$0x0], $0xffff  }
0x32a: {  	v1 =	vadd.f32 v13, v1;
	v13 =	vmul.f32 v21, v55;
	v21 =	vld [tilespmem:$0x1FEC0]  }
0x32b: {  	v19 =	vld [tilespmem:$0x1FCD0]  }
0x32c: {  	v51 =	vld.idx.msk [tilespmem:v50+s11+$0x0], $0xffff  }
0x32d: {  	v8 =	vld.idx.msk [tilespmem:v50+s13+$0x0], $0xffff  }
0x32e: {  	v1 =	vadd.f32 v13, v1;
	v13 =	vld [tilespmem:$0x1FF00]  }
0x32f: {  	v55 =	vld.idx.msk [tilespmem:v54+s11+$0x0], $0xffff  }
0x330: {  	v1 =	vadd.f32 v11, v1;
	v6 =	vld.idx.msk [tilespmem:v54+s13+$0x0], $0xffff  }
0x331: {  	v11 =	vld [tilespmem:$0x1FD10]  }
0x332: {  	v34 =	vmul.f32 v24, v23;
	v1 =	vadd.f32 v9, v1;
	v9 =	vmul.f32 v33, v23;
	v23 =	vld [tilespmem:$0x1FE50]  }
0x333: {  	v33 =	vld [tilespmem:$0x1FE60]  }
0x334: {  	v62 =	vmul.f32 v8, v51;
	v8 =	vld.idx.msk [tilespmem:v63+s13+$0x0], $0xffff  }
0x335: {  	v38 =	vmul.f32 v28, v27;
	v1 =	vadd.f32 v9, v1;
	v9 =	vmul.f32 v37, v27;
	v27 =	vld [tilespmem:$0x1FE30]  }
0x336: {  	v37 =	vld [tilespmem:$0x1FE40]  }
0x337: {  	v2 =	vadd.f32 v22, v2;
	v14 =	vmul.f32 v6, v55;
	v6 =	vld.idx.msk [tilespmem:v15+s13+$0x0], $0xffff  }
0x338: {  	v42 =	vmul.f32 v32, v31;
	v15 =	vld [tilespmem:$0x1FCF0]  }
0x339: {  	v2 =	vadd.f32 v26, v2;
	v1 =	vadd.f32 v9, v1;
	v9 =	vmul.f32 v41, v31;
	v31 =	vld [tilespmem:$0x1FE10]  }
0x33a: {  	v0 =	vmul.f32 v36, v35;
	v41 =	vld [tilespmem:$0x1FE20]  }
0x33b: {  	v2 =	vadd.f32 v30, v2;
	v1 =	vadd.f32 v9, v1;
	v9 =	vmul.f32 v45, v35;
	v35 =	vld [tilespmem:$0x1FDF0]  }
0x33c: {  	v45 =	vld [tilespmem:$0x1FE00]  }
0x33d: {  	v2 =	vadd.f32 v34, v2;
	v24 =	vld.idx.msk [tilespmem:v23+s11+$0x0], $0xffff  }
0x33e: {  	v49 =	vmul.f32 v40, v39;
	v22 =	vmul.f32 v8, v12;
	v8 =	vld.idx.msk [tilespmem:v23+s13+$0x0], $0xffff  }
0x33f: {  	v2 =	vadd.f32 v38, v2;
	v1 =	vadd.f32 v9, v1;
	v9 =	vmul.f32 v48, v39;
	v39 =	vld [tilespmem:$0x1FDD0]  }
0x340: {  	v48 =	vld.idx.msk [tilespmem:v47+s11+$0x0], $0xffff  }
0x341: {  	v2 =	vadd.f32 v42, v2;
	v23 =	vld [tilespmem:$0x1FCB0]  }
0x342: {  	v28 =	vld.idx.msk [tilespmem:v27+s11+$0x0], $0xffff  }
0x343: {  	v0 =	vadd.f32 v0, v2;
	v26 =	vmul.f32 v6, v16;
	v6 =	vld.idx.msk [tilespmem:v27+s13+$0x0], $0xffff  }
0x344: {  	v53 =	vmul.f32 v44, v43;
	v1 =	vadd.f32 v9, v1;
	v9 =	vmul.f32 v52, v43;
	v43 =	vld [tilespmem:$0x1FDB0]  }
0x345: {  	v0 =	vadd.f32 v49, v0;
	v49 =	vld [tilespmem:$0x1FDE0]  }
0x346: {  	v27 =	vld [tilespmem:$0x1FC90]  }
0x347: {  	v32 =	vld.idx.msk [tilespmem:v31+s11+$0x0], $0xffff  }
0x348: {  	v30 =	vmul.f32 v5, v20;
	v5 =	vld.idx.msk [tilespmem:v31+s13+$0x0], $0xffff  }
0x349: {  	v0 =	vadd.f32 v53, v0;
	v53 =	vld [tilespmem:$0x1FDC0]  }
0x34a: {  	v31 =	vld [tilespmem:$0x1FC70]  }
0x34b: {  	v1 =	vadd.f32 v9, v1;
	v9 =	vmul.f32 v57, v46;
	v36 =	vld.idx.msk [tilespmem:v35+s11+$0x0], $0xffff  }
0x34c: {  	v34 =	vmul.f32 v8, v24;
	v8 =	vld.idx.msk [tilespmem:v35+s13+$0x0], $0xffff  }
0x34d: {  	v1 =	vadd.f32 v9, v1;
	v9 =	vmul.f32 v61, v51;
	v51 =	vld [tilespmem:$0x1FD70]  }
0x34e: {  	v0 =	vadd.f32 v58, v0;
	v58 =	vld [tilespmem:$0x1FDA0]  }
0x34f: {  	v35 =	vld [tilespmem:$0x1FC50]  }
0x350: {  	v40 =	vld.idx.msk [tilespmem:v39+s11+$0x0], $0xffff  }
0x351: {  	v38 =	vmul.f32 v6, v28;
	v6 =	vld.idx.msk [tilespmem:v39+s13+$0x0], $0xffff  }
0x352: {  	v1 =	vadd.f32 v9, v1;
	v9 =	vmul.f32 v13, v55;
	v55 =	vld [tilespmem:$0x1FD50]  }
0x353: {  	v0 =	vadd.f32 v62, v0;
	v62 =	vld [tilespmem:$0x1FD80]  }
0x354: {  	v13 =	vld [tilespmem:$0x1FD60]  }
0x355: {  	v39 =	vld [tilespmem:$0x1FC30]  }
0x356: {  	v44 =	vld.idx.msk [tilespmem:v43+s11+$0x0], $0xffff  }
0x357: {  	v42 =	vmul.f32 v5, v32;
	v5 =	vld.idx.msk [tilespmem:v43+s13+$0x0], $0xffff  }
0x358: {  	v1 =	vadd.f32 v9, v1;
	v9 =	vmul.f32 v17, v60;
	v60 =	vld [tilespmem:$0x1FD30]  }
0x359: {  	v17 =	vld [tilespmem:$0x1FD40]  }
0x35a: {  	v43 =	vld [tilespmem:$0x1FC10]  }
0x35b: {  	v0 =	vadd.f32 v14, v0;
	v46 =	vmul.f32 v8, v36;
	v8 =	vld.idx.msk [tilespmem:v47+s13+$0x0], $0xffff  }
0x35c: {  	v47 =	vld [tilespmem:$0x1FBF0];
	v1 =	vadd.f32 v9, v1;
	v9 =	vmul.f32 v21, v12  }
0x35d: {  	v0 =	vadd.f32 v18, v0;
	v12 =	vld.idx.msk [tilespmem:v11+s11+$0x0], $0xffff  }
0x35e: {  	v21 =	vld [tilespmem:$0x1FD20];
	v1 =	vadd.f32 v9, v1;
	v9 =	vmul.f32 v25, v16  }
0x35f: {  	v0 =	vadd.f32 v22, v0;
	v52 =	vld.idx.msk [tilespmem:v51+s11+$0x0], $0xffff  }
0x360: {  	v50 =	vmul.f32 v6, v40;
	v6 =	vld.idx.msk [tilespmem:v51+s13+$0x0], $0xffff;
	v1 =	vadd.f32 v9, v1;
	v9 =	vmul.f32 v29, v20  }
0x361: {  	v16 =	vld.idx.msk [tilespmem:v15+s11+$0x0], $0xffff;
	v0 =	vadd.f32 v26, v0  }
0x362: {  	v25 =	vld [tilespmem:$0x1FD00];
	v1 =	vadd.f32 v9, v1;
	v9 =	vmul.f32 v33, v24  }
0x363: {  	v51 =	vld [tilespmem:$0x1FBD0];
	v0 =	vadd.f32 v30, v0  }
0x364: {  	v57 =	vld.idx.msk [tilespmem:v55+s11+$0x0], $0xffff;
	v1 =	vadd.f32 v9, v1;
	v9 =	vmul.f32 v37, v28  }
0x365: {  	v54 =	vmul.f32 v5, v44;
	v5 =	vld.idx.msk [tilespmem:v55+s13+$0x0], $0xffff;
	v0 =	vadd.f32 v34, v0  }
0x366: {  	v20 =	vld.idx.msk [tilespmem:v19+s11+$0x0], $0xffff;
	v1 =	vadd.f32 v9, v1;
	v9 =	vmul.f32 v41, v32  }
0x367: {  	v29 =	vld [tilespmem:$0x1FCE0];
	v0 =	vadd.f32 v38, v0  }
0x368: {  	v55 =	vld [tilespmem:$0x1FBB0];
	v1 =	vadd.f32 v9, v1;
	v9 =	vmul.f32 v45, v36  }
0x369: {  	v61 =	vld.idx.msk [tilespmem:v60+s11+$0x0], $0xffff;
	v0 =	vadd.f32 v42, v0  }
0x36a: {  	v59 =	vmul.f32 v8, v48;
	v8 =	vld.idx.msk [tilespmem:v60+s13+$0x0], $0xffff;
	v1 =	vadd.f32 v9, v1;
	v9 =	vmul.f32 v49, v40  }
0x36b: {  	v24 =	vld.idx.msk [tilespmem:v23+s11+$0x0], $0xffff;
	v0 =	vadd.f32 v46, v0  }
0x36c: {  	v33 =	vld [tilespmem:$0x1FCC0];
	v1 =	vadd.f32 v9, v1;
	v9 =	vmul.f32 v53, v44  }
0x36d: {  	v60 =	vld [tilespmem:$0x1FBE0];
	v0 =	vadd.f32 v50, v0  }
0x36e: {  	v63 =	vmul.f32 v6, v52;
	v6 =	vld.idx.msk [tilespmem:v11+s13+$0x0], $0xffff;
	v1 =	vadd.f32 v9, v1;
	v9 =	vmul.f32 v58, v48  }
0x36f: {  	v28 =	vld.idx.msk [tilespmem:v27+s11+$0x0], $0xffff;
	v0 =	vadd.f32 v54, v0  }
0x370: {  	v37 =	vld [tilespmem:$0x1FCA0];
	v1 =	vadd.f32 v9, v1;
	v9 =	vmul.f32 v62, v52  }
0x371: {  	v14 =	vmul.f32 v5, v57;
	v5 =	vld.idx.msk [tilespmem:v15+s13+$0x0], $0xffff;
	v0 =	vadd.f32 v59, v0  }
0x372: {  	v32 =	vld.idx.msk [tilespmem:v31+s11+$0x0], $0xffff;
	v1 =	vadd.f32 v9, v1;
	v9 =	vmul.f32 v13, v57  }
0x373: {  	v41 =	vld [tilespmem:$0x1FC80];
	v0 =	vadd.f32 v63, v0  }
0x374: {  	v18 =	vmul.f32 v8, v61;
	v8 =	vld.idx.msk [tilespmem:v19+s13+$0x0], $0xffff;
	v1 =	vadd.f32 v9, v1;
	v9 =	vmul.f32 v17, v61  }
0x375: {  	v22 =	vmul.f32 v6, v12;
	v6 =	vld.idx.msk [tilespmem:v23+s13+$0x0], $0xffff;
	v0 =	vadd.f32 v14, v0  }
0x376: {  	v36 =	vld.idx.msk [tilespmem:v35+s11+$0x0], $0xffff;
	v1 =	vadd.f32 v9, v1;
	v9 =	vmul.f32 v21, v12  }
0x377: {  	v45 =	vld [tilespmem:$0x1FC60];
	v0 =	vadd.f32 v18, v0  }
0x378: {  	v26 =	vmul.f32 v5, v16;
	v5 =	vld.idx.msk [tilespmem:v27+s13+$0x0], $0xffff;
	v1 =	vadd.f32 v9, v1;
	v9 =	vmul.f32 v25, v16  }
0x379: {  	v40 =	vld.idx.msk [tilespmem:v39+s11+$0x0], $0xffff;
	v0 =	vadd.f32 v22, v0  }
0x37a: {  	v49 =	vld [tilespmem:$0x1FC40];
	v1 =	vadd.f32 v9, v1;
	v9 =	vmul.f32 v29, v20  }
0x37b: {  	v30 =	vmul.f32 v8, v20;
	v8 =	vld.idx.msk [tilespmem:v31+s13+$0x0], $0xffff;
	v0 =	vadd.f32 v26, v0  }
0x37c: {  	v44 =	vld.idx.msk [tilespmem:v43+s11+$0x0], $0xffff;
	v1 =	vadd.f32 v9, v1;
	v9 =	vmul.f32 v33, v24  }
0x37d: {  	v53 =	vld [tilespmem:$0x1FC20];
	v34 =	vmul.f32 v6, v24;
	v0 =	vadd.f32 v30, v0  }
0x37e: {  	v6 =	vld.idx.msk [tilespmem:v35+s13+$0x0], $0xffff;
	v1 =	vadd.f32 v9, v1;
	v9 =	vmul.f32 v37, v28  }
0x37f: {  	v48 =	vld.idx.msk [tilespmem:v47+s11+$0x0], $0xffff;
	v38 =	vmul.f32 v5, v28;
	v0 =	vadd.f32 v34, v0  }
0x380: {  	v5 =	vld.idx.msk [tilespmem:v39+s13+$0x0], $0xffff;
	v1 =	vadd.f32 v9, v1;
	v9 =	vmul.f32 v41, v32  }
0x381: {  	v58 =	vld [tilespmem:$0x1FC00];
	v42 =	vmul.f32 v8, v32;
	v0 =	vadd.f32 v38, v0  }
0x382: {  	v8 =	vld.idx.msk [tilespmem:v43+s13+$0x0], $0xffff;
	v1 =	vadd.f32 v9, v1;
	v9 =	vmul.f32 v45, v36  }
0x383: {  	v52 =	vld.idx.msk [tilespmem:v51+s11+$0x0], $0xffff;
	v46 =	vmul.f32 v6, v36;
	v0 =	vadd.f32 v42, v0  }
0x384: {  	v6 =	vld.idx.msk [tilespmem:v47+s13+$0x0], $0xffff;
	v1 =	vadd.f32 v9, v1;
	v9 =	vmul.f32 v49, v40  }
0x385: {  	v62 =	vld [tilespmem:$0x1FBC0];
	v50 =	vmul.f32 v5, v40;
	v0 =	vadd.f32 v46, v0  }
0x386: {  	v5 =	vld.idx.msk [tilespmem:v51+s13+$0x0], $0xffff;
	v1 =	vadd.f32 v9, v1;
	v9 =	vmul.f32 v53, v44  }
0x387: {  	v57 =	vld.idx.msk [tilespmem:v55+s11+$0x0], $0xffff;
	v54 =	vmul.f32 v8, v44;
	v0 =	vadd.f32 v50, v0  }
0x388: {  	v8 =	vld.idx.msk [tilespmem:v55+s13+$0x0], $0xffff;
	v1 =	vadd.f32 v9, v1;
	v9 =	vmul.f32 v58, v48  }
0x389: {  	v59 =	vmul.f32 v6, v48;
	v0 =	vadd.f32 v54, v0  }
0x38a: {  	v4 =	vmul.f32 v60, v52;
	v1 =	vadd.f32 v9, v1  }
0x38b: {  	s20 =	sadd.s32 $0x1, s20;
	v61 =	vmul.f32 v5, v52;
	v0 =	vadd.f32 v59, v0  }
0x38c: {  	p0 =	sne.s32 s20, $0x4;
	v3 =	vmul.f32 v62, v57;
	v1 =	vadd.f32 v4, v1  }
.Ltmp1:
0x38d: {  	v63 =	vmul.f32 v8, v57;
	v0 =	vadd.f32 v61, v0;
	(pc) =	sbr.rel @p0 .LBB2_2-.Ltmp1, $4  }
0x38e: {  	v1 =	vadd.f32 v3, v1  }
0x38f: {  	s22 =	sadd.s32 $0x10, s22;
	v0 =	vadd.f32 v63, v0  }
0x390: {  	s21 =	sadd.s32 $0x10, s21;
	[tilespmem:s22+$0x0] =	vst v1  }
0x391: {  	s19 =	sadd.s32 $0x80, s19;
	s18 =	sadd.s32 $0x80, s18;
	[tilespmem:s21+$0x0] =	vst v0  }
0x392: {  	[hbm4b:s6+s2] =	stream.linear.scatter [tilespmem:s15], [sflag:$0x2], $0x200, $0x38;
	[tilespmem:$0x6A00] =	vst v63  }
0x393: {  	s17 =	sadd.s32 $0x1, s17;
	_ =	swait.ge [sflag:s9], $0x200  }
0x394: {  	p0 =	sne.s32 s17, s8;
	[sflag:s9] =	ssyncset.done $0x0  }
.Ltmp2:
0x395: {  	[sflag:s9] =	ssyncadd.s32 $0xFFFFFE00;
	(pc) =	sbr.rel @p0 .LBB2_1-.Ltmp2, $4  }
0x396: {  	[hbm4b:s7+s2] =	stream.linear.scatter [tilespmem:s16], [sflag:$0x2], $0x200, $0x38;
	[tilespmem:$0x6A00] =	vst v63  }
0x397: {  	_ =	swait.ge [sflag:s9], $0x200  }
0x398: {  	[sflag:s9] =	ssyncset.done $0x0  }
0x399: {  	[sflag:s9] =	ssyncadd.s32 $0xFFFFFE00  }
0x39a: {  	_ =	sfence.sel $0x180000  }
0x39b: {  	[bflag:$0x0] =	sbarrier.arrive $0xFFFF  }
0x39c: {  	p0 =	sne.s32 s0, $0x0;
	_ =	strace $0x90000047  }
0x39d: {  	s0 =	sadd.s32 @!p0 $0x100000, s1;
	[bflag:$0x2] =	sbarrier.arrive $0xFFFF  }
0x39e: {  	[sflag:s0] =	ssyncadd.tile.s32 @!p0 $0x1;
	_ =	shalt  }
.Lfunc_end2:
_tile_overlayer_lowered:
.L_overlay_start_2:
0x39f: {  	(tag) =	ssettag $0x2  }
0x3a0: {  	s0 =	rddreg [dreg:$0x0];
	s2 =	stileid.u32  }
0x3a1: {  	s1 =	rddreg [dreg:$0x1];
	p0 =	sne.s32 s2, $0x0  }
0x3a2: {  	s3 =	rddreg [dreg:$0x2];
	[bflag:$0x3] =	sbarrier.arrive $0xFFFF;
	s2 =	simm.s32 @!p0 $0x1C02  }
0x3a3: {  	[timem:s3], [sflag:s2] =	dma.local @!p0 [hbm:s0], s1  }
0x3a4: {  	s0 =	simm.s32 @!p0 $0x2  }
0x3a5: {  	_ =	swait.ge @!p0 [sflag:s0], s1  }
0x3a6: {  	s1 =	ssub.s32 @!p0 $0x0, s1;
	[sflag:s0] =	ssyncset.done @!p0 $0x0  }
0x3a7: {  	[sflag:s0] =	ssyncadd.s32 @!p0 s1  }
0x3a8: {  	[bflag:$0x3] =	sbarrier.arrive $0xFFFF  }
0x3a9: {  	_ =	shalt  }

</sc_bundles>
